<compile_context>
chip_gen: v7x
topology: tpu7x:2x2x1
jax: 0.10.2.dev20260603
libtpu: 0.0.44.dev20260713+nightly
codegen_flags: <defaults>
</compile_context>

<pallas_src>
import functools

import jax
import jax.numpy as jnp
from jax import lax
from jax.experimental import pallas as pl
from jax.experimental.pallas import tpu as pltpu
from jax.experimental.pallas import tpu_sc as plsc

D = 128
B = 4096 * 200
NC, NS = 2, 16
NW = NC * NS
B_PER_W = B // NW
CHUNK = 16
N_CHUNKS = B_PER_W // CHUNK
NBUF = 8


def _make_gather():
  mesh = plsc.VectorSubcoreMesh(core_axis_name="c", subcore_axis_name="s")

  @functools.partial(
      pl.kernel,
      mesh=mesh,
      out_type=jax.ShapeDtypeStruct((B, D), jnp.float32),
      scratch_types=[
          pltpu.VMEM((B_PER_W,), jnp.int32),
          pltpu.VMEM((NBUF, CHUNK, D), jnp.float32),
          pltpu.VMEM_SHARED((8192, D), jnp.float32),
      ] + [pltpu.SemaphoreType.DMA] * (2 * NBUF),
  )
  def gather_kernel(table_hbm, idx_hbm, out_hbm, idx_v, rows_v, table_sh,
                    *sems):
    gsems = sems[:NBUF]
    ssems = sems[NBUF:]
    sid = lax.axis_index("s")
    wid = sid * NC + lax.axis_index("c")
    base = wid * B_PER_W

    trows = 8192 // NS
    t_src = table_hbm.at[pl.ds(sid * trows, trows)]
    t_dst = table_sh.at[pl.ds(sid * trows, trows)]
    i_src = idx_hbm.at[pl.ds(base, B_PER_W)]
    pltpu.async_copy(t_src, t_dst, gsems[0])
    pltpu.async_copy(i_src, idx_v, ssems[0])
    pltpu.make_async_copy(t_src, t_dst, gsems[0]).wait()
    pltpu.make_async_copy(i_src, idx_v, ssems[0]).wait()
    plsc.subcore_barrier()

    def start_gather(c, j):
      pltpu.async_copy(
          table_sh.at[idx_v.at[pl.ds(c * CHUNK, CHUNK)]],
          rows_v.at[j], gsems[j])

    def wait_store(j):
      pltpu.make_async_copy(
          rows_v.at[j], out_hbm.at[pl.ds(base, CHUNK)], ssems[j]).wait()

    for j in range(NBUF - 1):
      start_gather(j, j)

    def body(g, carry):
      for j in range(NBUF):
        c = g * NBUF + j
        pltpu.make_async_copy(
            table_sh.at[idx_v.at[pl.ds(0, CHUNK)]],
            rows_v.at[j], gsems[j]).wait()
        pltpu.async_copy(rows_v.at[j],
                         out_hbm.at[pl.ds(base + c * CHUNK, CHUNK)],
                         ssems[j])
        cr = c + NBUF - 1
        jr = (j + NBUF - 1) % NBUF
        @pl.when(cr < N_CHUNKS)
        def _():
          @pl.when(cr >= NBUF)
          def _():
            wait_store(jr)
          start_gather(cr, jr)
      return carry

    lax.fori_loop(0, N_CHUNKS // NBUF, body, 0)
    for j in range(NBUF):
      wait_store(j)

  return gather_kernel


_gather = _make_gather()


def kernel(idx, table):
  idx_flat = idx.reshape(B).astype(jnp.int32)
  out = _gather(table, idx_flat)
  return out.reshape(idx.shape + (D,))

# --- scband reference (transcript-rebuilt; emitter-appended) ---
"""Pipeline reference for scband-fixed-sin-cos-embedding-91027536871657 (READ-ONLY COPY).

The authoritative reference and input builder live on the scoring server;
editing this copy changes nothing except your own understanding.
"""

import math
import jax, jax.numpy as jnp
import numpy as np

MAX_SEQ_LEN = 8192
EMBEDDING_DIM = 128
PERIOD = 10000.0


def _build_table(max_seq_len, embedding_dim, period):
    half = embedding_dim // 2
    positions = jnp.arange(max_seq_len, dtype=jnp.float32)[:, None]
    freq_index = jnp.arange(half, dtype=jnp.float32)
    base_omega = 2.0 * math.pi / period
    exponents = freq_index / max(1, half)
    inv_freq = base_omega / jnp.power(10000.0, exponents)
    angles = positions * inv_freq[None, :]
    pe = jnp.zeros((max_seq_len, embedding_dim), dtype=jnp.float32)
    pe = pe.at[:, 0:2 * half:2].set(jnp.sin(angles))
    pe = pe.at[:, 1:2 * half:2].set(jnp.cos(angles))
    if embedding_dim % 2 == 1:
        pe = pe.at[:, -1].set(0.0)
    return pe


def setup_inputs(seed: int = 0) -> dict:
    key = jax.random.key(seed)
    idx = jax.random.randint(key, (4096, 200), 0, MAX_SEQ_LEN)
    table = _build_table(MAX_SEQ_LEN, EMBEDDING_DIM, PERIOD)
    return {"idx": idx, "table": table}


def reference(idx, table):
    # Faithful translation of FixedSinCosEmbedding.forward: plain row gather
    return jnp.take(table, idx, axis=0)

if __name__ == "__main__":
    import jax
    _d = setup_inputs()
    print(jax.jit(kernel)(*tuple(_d.values())))

</pallas_src>

<mosaic_0001>
#map = affine_map<(d0, d1) -> (0, 0)>
#map1 = affine_map<(d0, d1) -> (0)>
module attributes {stable_mosaic.version = 14 : i64} {
  func.func @gather_kernel(%arg0: i32, %arg1: i32, %arg2: memref<8192x128xf32, #tpu.memory_space<hbm>>, %arg3: memref<819200xi32, #tpu.memory_space<hbm>>, %arg4: memref<819200x128xf32, #tpu.memory_space<hbm>>, %arg5: memref<25600xi32, #tpu.memory_space<vmem>>, %arg6: memref<8x16x128xf32, #tpu.memory_space<vmem>>, %arg7: memref<8192x128xf32, #tpu.memory_space<vmem_shared>>, %arg8: memref<!tpu.dma_semaphore, #tpu.memory_space<semaphore_mem>>, %arg9: memref<!tpu.dma_semaphore, #tpu.memory_space<semaphore_mem>>, %arg10: memref<!tpu.dma_semaphore, #tpu.memory_space<semaphore_mem>>, %arg11: memref<!tpu.dma_semaphore, #tpu.memory_space<semaphore_mem>>, %arg12: memref<!tpu.dma_semaphore, #tpu.memory_space<semaphore_mem>>, %arg13: memref<!tpu.dma_semaphore, #tpu.memory_space<semaphore_mem>>, %arg14: memref<!tpu.dma_semaphore, #tpu.memory_space<semaphore_mem>>, %arg15: memref<!tpu.dma_semaphore, #tpu.memory_space<semaphore_mem>>, %arg16: memref<!tpu.dma_semaphore, #tpu.memory_space<semaphore_mem>>, %arg17: memref<!tpu.dma_semaphore, #tpu.memory_space<semaphore_mem>>, %arg18: memref<!tpu.dma_semaphore, #tpu.memory_space<semaphore_mem>>, %arg19: memref<!tpu.dma_semaphore, #tpu.memory_space<semaphore_mem>>, %arg20: memref<!tpu.dma_semaphore, #tpu.memory_space<semaphore_mem>>, %arg21: memref<!tpu.dma_semaphore, #tpu.memory_space<semaphore_mem>>, %arg22: memref<!tpu.dma_semaphore, #tpu.memory_space<semaphore_mem>>, %arg23: memref<!tpu.dma_semaphore, #tpu.memory_space<semaphore_mem>>) attributes {dimension_semantics = [#tpu.dimension_semantics<core_parallel>, #tpu.dimension_semantics<subcore_parallel>], iteration_bounds = array<i64: 2, 16>, scalar_prefetch = 0 : i64, scratch_operands = 19 : i64, tpu.core_type = #tpu.core_type<sc_vector_subcore>, window_params = [{transform_indices = #map}, {transform_indices = #map1}, {transform_indices = #map}]} {
    %mul3A = arith.constant 2 : i32
    %mul3A_0 = arith.muli %arg1, %mul3A : i32
    %add3A = arith.addi %mul3A_0, %arg0 : i32
    %mul3A_1 = arith.constant 25600 : i32
    %mul3A_2 = arith.muli %add3A, %mul3A_1 : i32
    %mul3A_3 = arith.constant 512 : i32
    %mul3A_4 = arith.muli %arg1, %mul3A_3 : i32
    %mul3A_5 = arith.constant 512 : i32
    %mul3A_6 = arith.muli %arg1, %mul3A_5 : i32
    %dma_start3A = arith.constant 0 : i32
    %dma_start3A_7 = tpu.memref_slice %arg7[%mul3A_6, %dma_start3A] : memref<8192x128xf32, #tpu.memory_space<vmem_shared>> -> memref<512x128xf32, #tpu.memory_space<vmem_shared>>
    %dma_start3A_8 = arith.constant 0 : i32
    %dma_start3A_9 = tpu.memref_slice %arg2[%mul3A_4, %dma_start3A_8] : memref<8192x128xf32, #tpu.memory_space<hbm>> -> memref<512x128xf32, #tpu.memory_space<hbm>>
    tpu.enqueue_dma source(%dma_start3A_9 : memref<512x128xf32, #tpu.memory_space<hbm>>) target(%dma_start3A_7 : memref<512x128xf32, #tpu.memory_space<vmem_shared>>) target_semaphore(%arg8 : memref<!tpu.dma_semaphore, #tpu.memory_space<semaphore_mem>>)
    %dma_start3A_10 = tpu.memref_slice %arg3[%mul3A_2] : memref<819200xi32, #tpu.memory_space<hbm>> -> memref<25600xi32, #tpu.memory_space<hbm>>
    %dma_start3A_11 = tpu.memref_slice %arg3[%mul3A_2] : memref<819200xi32, #tpu.memory_space<hbm>> -> memref<25600xi32, #tpu.memory_space<hbm>>
    tpu.enqueue_dma source(%dma_start3A_11 : memref<25600xi32, #tpu.memory_space<hbm>>) target(%arg5 : memref<25600xi32, #tpu.memory_space<vmem>>) target_semaphore(%arg16 : memref<!tpu.dma_semaphore, #tpu.memory_space<semaphore_mem>>)
    %dma_wait3A = arith.constant 0 : i32
    %dma_wait3A_12 = tpu.memref_slice %arg7[%mul3A_6, %dma_wait3A] : memref<8192x128xf32, #tpu.memory_space<vmem_shared>> -> memref<512x128xf32, #tpu.memory_space<vmem_shared>>
    %dma_wait3A_13 = arith.constant 0 : i32
    %dma_wait3A_14 = tpu.memref_slice %arg2[%mul3A_4, %dma_wait3A_13] : memref<8192x128xf32, #tpu.memory_space<hbm>> -> memref<512x128xf32, #tpu.memory_space<hbm>>
    tpu.wait_dma2 semaphore(%arg8 : memref<!tpu.dma_semaphore, #tpu.memory_space<semaphore_mem>>) src(%dma_wait3A_14 : memref<512x128xf32, #tpu.memory_space<hbm>>) dst(%dma_wait3A_12 : memref<512x128xf32, #tpu.memory_space<vmem_shared>>)
    %dma_wait3A_15 = tpu.memref_slice %arg3[%mul3A_2] : memref<819200xi32, #tpu.memory_space<hbm>> -> memref<25600xi32, #tpu.memory_space<hbm>>
    %dma_wait3A_16 = tpu.memref_slice %arg3[%mul3A_2] : memref<819200xi32, #tpu.memory_space<hbm>> -> memref<25600xi32, #tpu.memory_space<hbm>>
    tpu.wait_dma2 semaphore(%arg16 : memref<!tpu.dma_semaphore, #tpu.memory_space<semaphore_mem>>) src(%dma_wait3A_16 : memref<25600xi32, #tpu.memory_space<hbm>>) dst(%arg5 : memref<25600xi32, #tpu.memory_space<vmem>>)
    %barrier3A = arith.constant 0 : index
    tpu.barrier barrier_id(%barrier3A)
    %dma_start3A_17 = arith.constant 0 : i32
    %dma_start3A_18 = arith.constant 0 : i32
    %dma_start3A_19 = arith.constant 0 : i32
    %dma_start3A_20 = tpu.memref_slice %arg6[%dma_start3A_17, %dma_start3A_18, %dma_start3A_19] : memref<8x16x128xf32, #tpu.memory_space<vmem>> -> memref<1x16x128xf32, #tpu.memory_space<vmem>>
    %dma_start3A_21 = tpu.memref_squeeze %dma_start3A_20 : memref<1x16x128xf32, #tpu.memory_space<vmem>> -> memref<16x128xf32, #tpu.memory_space<vmem>>
    %dma_start3A_22 = arith.constant 0 : i32
    %dma_start3A_23 = tpu.memref_slice %arg5[%dma_start3A_22] : memref<25600xi32, #tpu.memory_space<vmem>> -> memref<16xi32, #tpu.memory_space<vmem>>
    %dma_start3A_24 = arith.constant 0 : i32
    %dma_start3A_25 = arith.constant 0 : i32
    %dma_start3A_26 = tpu.memref_slice %arg7[%dma_start3A_24, %dma_start3A_25] : memref<8192x128xf32, #tpu.memory_space<vmem_shared>> -> memref<8192x128xf32, #tpu.memory_space<vmem_shared>>
    tpu.enqueue_indirect_dma source(%dma_start3A_26 : memref<8192x128xf32, #tpu.memory_space<vmem_shared>>) target(%dma_start3A_21 : memref<16x128xf32, #tpu.memory_space<vmem>>) offsets(%dma_start3A_23 : memref<16xi32, #tpu.memory_space<vmem>>) semaphore(%arg8 : memref<!tpu.dma_semaphore, #tpu.memory_space<semaphore_mem>>)
    %dma_start3A_27 = arith.constant 1 : i32
    %dma_start3A_28 = arith.constant 0 : i32
    %dma_start3A_29 = arith.constant 0 : i32
    %dma_start3A_30 = tpu.memref_slice %arg6[%dma_start3A_27, %dma_start3A_28, %dma_start3A_29] : memref<8x16x128xf32, #tpu.memory_space<vmem>> -> memref<1x16x128xf32, #tpu.memory_space<vmem>>
    %dma_start3A_31 = tpu.memref_squeeze %dma_start3A_30 : memref<1x16x128xf32, #tpu.memory_space<vmem>> -> memref<16x128xf32, #tpu.memory_space<vmem>>
    %dma_start3A_32 = arith.constant 16 : i32
    %dma_start3A_33 = tpu.memref_slice %arg5[%dma_start3A_32] : memref<25600xi32, #tpu.memory_space<vmem>> -> memref<16xi32, #tpu.memory_space<vmem>>
    %dma_start3A_34 = arith.constant 0 : i32
    %dma_start3A_35 = arith.constant 0 : i32
    %dma_start3A_36 = tpu.memref_slice %arg7[%dma_start3A_34, %dma_start3A_35] : memref<8192x128xf32, #tpu.memory_space<vmem_shared>> -> memref<8192x128xf32, #tpu.memory_space<vmem_shared>>
    tpu.enqueue_indirect_dma source(%dma_start3A_36 : memref<8192x128xf32, #tpu.memory_space<vmem_shared>>) target(%dma_start3A_31 : memref<16x128xf32, #tpu.memory_space<vmem>>) offsets(%dma_start3A_33 : memref<16xi32, #tpu.memory_space<vmem>>) semaphore(%arg9 : memref<!tpu.dma_semaphore, #tpu.memory_space<semaphore_mem>>)
    %dma_start3A_37 = arith.constant 2 : i32
    %dma_start3A_38 = arith.constant 0 : i32
    %dma_start3A_39 = arith.constant 0 : i32
    %dma_start3A_40 = tpu.memref_slice %arg6[%dma_start3A_37, %dma_start3A_38, %dma_start3A_39] : memref<8x16x128xf32, #tpu.memory_space<vmem>> -> memref<1x16x128xf32, #tpu.memory_space<vmem>>
    %dma_start3A_41 = tpu.memref_squeeze %dma_start3A_40 : memref<1x16x128xf32, #tpu.memory_space<vmem>> -> memref<16x128xf32, #tpu.memory_space<vmem>>
    %dma_start3A_42 = arith.constant 32 : i32
    %dma_start3A_43 = tpu.memref_slice %arg5[%dma_start3A_42] : memref<25600xi32, #tpu.memory_space<vmem>> -> memref<16xi32, #tpu.memory_space<vmem>>
    %dma_start3A_44 = arith.constant 0 : i32
    %dma_start3A_45 = arith.constant 0 : i32
    %dma_start3A_46 = tpu.memref_slice %arg7[%dma_start3A_44, %dma_start3A_45] : memref<8192x128xf32, #tpu.memory_space<vmem_shared>> -> memref<8192x128xf32, #tpu.memory_space<vmem_shared>>
    tpu.enqueue_indirect_dma source(%dma_start3A_46 : memref<8192x128xf32, #tpu.memory_space<vmem_shared>>) target(%dma_start3A_41 : memref<16x128xf32, #tpu.memory_space<vmem>>) offsets(%dma_start3A_43 : memref<16xi32, #tpu.memory_space<vmem>>) semaphore(%arg10 : memref<!tpu.dma_semaphore, #tpu.memory_space<semaphore_mem>>)
    %dma_start3A_47 = arith.constant 3 : i32
    %dma_start3A_48 = arith.constant 0 : i32
    %dma_start3A_49 = arith.constant 0 : i32
    %dma_start3A_50 = tpu.memref_slice %arg6[%dma_start3A_47, %dma_start3A_48, %dma_start3A_49] : memref<8x16x128xf32, #tpu.memory_space<vmem>> -> memref<1x16x128xf32, #tpu.memory_space<vmem>>
    %dma_start3A_51 = tpu.memref_squeeze %dma_start3A_50 : memref<1x16x128xf32, #tpu.memory_space<vmem>> -> memref<16x128xf32, #tpu.memory_space<vmem>>
    %dma_start3A_52 = arith.constant 48 : i32
    %dma_start3A_53 = tpu.memref_slice %arg5[%dma_start3A_52] : memref<25600xi32, #tpu.memory_space<vmem>> -> memref<16xi32, #tpu.memory_space<vmem>>
    %dma_start3A_54 = arith.constant 0 : i32
    %dma_start3A_55 = arith.constant 0 : i32
    %dma_start3A_56 = tpu.memref_slice %arg7[%dma_start3A_54, %dma_start3A_55] : memref<8192x128xf32, #tpu.memory_space<vmem_shared>> -> memref<8192x128xf32, #tpu.memory_space<vmem_shared>>
    tpu.enqueue_indirect_dma source(%dma_start3A_56 : memref<8192x128xf32, #tpu.memory_space<vmem_shared>>) target(%dma_start3A_51 : memref<16x128xf32, #tpu.memory_space<vmem>>) offsets(%dma_start3A_53 : memref<16xi32, #tpu.memory_space<vmem>>) semaphore(%arg11 : memref<!tpu.dma_semaphore, #tpu.memory_space<semaphore_mem>>)
    %dma_start3A_57 = arith.constant 4 : i32
    %dma_start3A_58 = arith.constant 0 : i32
    %dma_start3A_59 = arith.constant 0 : i32
    %dma_start3A_60 = tpu.memref_slice %arg6[%dma_start3A_57, %dma_start3A_58, %dma_start3A_59] : memref<8x16x128xf32, #tpu.memory_space<vmem>> -> memref<1x16x128xf32, #tpu.memory_space<vmem>>
    %dma_start3A_61 = tpu.memref_squeeze %dma_start3A_60 : memref<1x16x128xf32, #tpu.memory_space<vmem>> -> memref<16x128xf32, #tpu.memory_space<vmem>>
    %dma_start3A_62 = arith.constant 64 : i32
    %dma_start3A_63 = tpu.memref_slice %arg5[%dma_start3A_62] : memref<25600xi32, #tpu.memory_space<vmem>> -> memref<16xi32, #tpu.memory_space<vmem>>
    %dma_start3A_64 = arith.constant 0 : i32
    %dma_start3A_65 = arith.constant 0 : i32
    %dma_start3A_66 = tpu.memref_slice %arg7[%dma_start3A_64, %dma_start3A_65] : memref<8192x128xf32, #tpu.memory_space<vmem_shared>> -> memref<8192x128xf32, #tpu.memory_space<vmem_shared>>
    tpu.enqueue_indirect_dma source(%dma_start3A_66 : memref<8192x128xf32, #tpu.memory_space<vmem_shared>>) target(%dma_start3A_61 : memref<16x128xf32, #tpu.memory_space<vmem>>) offsets(%dma_start3A_63 : memref<16xi32, #tpu.memory_space<vmem>>) semaphore(%arg12 : memref<!tpu.dma_semaphore, #tpu.memory_space<semaphore_mem>>)
    %dma_start3A_67 = arith.constant 5 : i32
    %dma_start3A_68 = arith.constant 0 : i32
    %dma_start3A_69 = arith.constant 0 : i32
    %dma_start3A_70 = tpu.memref_slice %arg6[%dma_start3A_67, %dma_start3A_68, %dma_start3A_69] : memref<8x16x128xf32, #tpu.memory_space<vmem>> -> memref<1x16x128xf32, #tpu.memory_space<vmem>>
    %dma_start3A_71 = tpu.memref_squeeze %dma_start3A_70 : memref<1x16x128xf32, #tpu.memory_space<vmem>> -> memref<16x128xf32, #tpu.memory_space<vmem>>
    %dma_start3A_72 = arith.constant 80 : i32
    %dma_start3A_73 = tpu.memref_slice %arg5[%dma_start3A_72] : memref<25600xi32, #tpu.memory_space<vmem>> -> memref<16xi32, #tpu.memory_space<vmem>>
    %dma_start3A_74 = arith.constant 0 : i32
    %dma_start3A_75 = arith.constant 0 : i32
    %dma_start3A_76 = tpu.memref_slice %arg7[%dma_start3A_74, %dma_start3A_75] : memref<8192x128xf32, #tpu.memory_space<vmem_shared>> -> memref<8192x128xf32, #tpu.memory_space<vmem_shared>>
    tpu.enqueue_indirect_dma source(%dma_start3A_76 : memref<8192x128xf32, #tpu.memory_space<vmem_shared>>) target(%dma_start3A_71 : memref<16x128xf32, #tpu.memory_space<vmem>>) offsets(%dma_start3A_73 : memref<16xi32, #tpu.memory_space<vmem>>) semaphore(%arg13 : memref<!tpu.dma_semaphore, #tpu.memory_space<semaphore_mem>>)
    %dma_start3A_77 = arith.constant 6 : i32
    %dma_start3A_78 = arith.constant 0 : i32
    %dma_start3A_79 = arith.constant 0 : i32
    %dma_start3A_80 = tpu.memref_slice %arg6[%dma_start3A_77, %dma_start3A_78, %dma_start3A_79] : memref<8x16x128xf32, #tpu.memory_space<vmem>> -> memref<1x16x128xf32, #tpu.memory_space<vmem>>
    %dma_start3A_81 = tpu.memref_squeeze %dma_start3A_80 : memref<1x16x128xf32, #tpu.memory_space<vmem>> -> memref<16x128xf32, #tpu.memory_space<vmem>>
    %dma_start3A_82 = arith.constant 96 : i32
    %dma_start3A_83 = tpu.memref_slice %arg5[%dma_start3A_82] : memref<25600xi32, #tpu.memory_space<vmem>> -> memref<16xi32, #tpu.memory_space<vmem>>
    %dma_start3A_84 = arith.constant 0 : i32
    %dma_start3A_85 = arith.constant 0 : i32
    %dma_start3A_86 = tpu.memref_slice %arg7[%dma_start3A_84, %dma_start3A_85] : memref<8192x128xf32, #tpu.memory_space<vmem_shared>> -> memref<8192x128xf32, #tpu.memory_space<vmem_shared>>
    tpu.enqueue_indirect_dma source(%dma_start3A_86 : memref<8192x128xf32, #tpu.memory_space<vmem_shared>>) target(%dma_start3A_81 : memref<16x128xf32, #tpu.memory_space<vmem>>) offsets(%dma_start3A_83 : memref<16xi32, #tpu.memory_space<vmem>>) semaphore(%arg14 : memref<!tpu.dma_semaphore, #tpu.memory_space<semaphore_mem>>)
    %scan3A = arith.constant 0 : i32
    %scan3A_87 = arith.constant 0 : i32
    %scan3A_88 = arith.constant 200 : i32
    %scan3A_89 = arith.addi %scan3A_87, %scan3A_88 : i32
    %scan3A_90 = arith.constant 1 : i32
    scf.for %scan3A_196 = %scan3A_87 to %scan3A_89 step %scan3A_90  : i32 {
      %mul3A_197 = arith.constant 8 : i32
      %mul3A_198 = arith.muli %scan3A_196, %mul3A_197 : i32
      %add3A_199 = arith.constant 0 : i32
      %add3A_200 = arith.addi %mul3A_198, %add3A_199 : i32
      %dma_wait3A_201 = arith.constant 0 : i32
      %dma_wait3A_202 = arith.constant 0 : i32
      %dma_wait3A_203 = arith.constant 0 : i32
      %dma_wait3A_204 = tpu.memref_slice %arg6[%dma_wait3A_201, %dma_wait3A_202, %dma_wait3A_203] : memref<8x16x128xf32, #tpu.memory_space<vmem>> -> memref<1x16x128xf32, #tpu.memory_space<vmem>>
      %dma_wait3A_205 = tpu.memref_squeeze %dma_wait3A_204 : memref<1x16x128xf32, #tpu.memory_space<vmem>> -> memref<16x128xf32, #tpu.memory_space<vmem>>
      %dma_wait3A_206 = arith.constant 0 : i32
      %dma_wait3A_207 = tpu.memref_slice %arg5[%dma_wait3A_206] : memref<25600xi32, #tpu.memory_space<vmem>> -> memref<16xi32, #tpu.memory_space<vmem>>
      %dma_wait3A_208 = arith.constant 0 : i32
      %dma_wait3A_209 = arith.constant 0 : i32
      %dma_wait3A_210 = tpu.memref_slice %arg7[%dma_wait3A_208, %dma_wait3A_209] : memref<8192x128xf32, #tpu.memory_space<vmem_shared>> -> memref<8192x128xf32, #tpu.memory_space<vmem_shared>>
      tpu.wait_indirect_dma semaphore(%arg8 : memref<!tpu.dma_semaphore, #tpu.memory_space<semaphore_mem>>) src(%dma_wait3A_210 : memref<8192x128xf32, #tpu.memory_space<vmem_shared>>) dst(%dma_wait3A_205 : memref<16x128xf32, #tpu.memory_space<vmem>>)
      %mul3A_211 = arith.constant 16 : i32
      %mul3A_212 = arith.muli %add3A_200, %mul3A_211 : i32
      %add3A_213 = arith.addi %mul3A_2, %mul3A_212 : i32
      %dma_start3A_214 = arith.constant 0 : i32
      %dma_start3A_215 = arith.constant 0 : i32
      %dma_start3A_216 = arith.constant 0 : i32
      %dma_start3A_217 = tpu.memref_slice %arg6[%dma_start3A_214, %dma_start3A_215, %dma_start3A_216] : memref<8x16x128xf32, #tpu.memory_space<vmem>> -> memref<1x16x128xf32, #tpu.memory_space<vmem>>
      %dma_start3A_218 = tpu.memref_squeeze %dma_start3A_217 : memref<1x16x128xf32, #tpu.memory_space<vmem>> -> memref<16x128xf32, #tpu.memory_space<vmem>>
      %dma_start3A_219 = arith.constant 0 : i32
      %dma_start3A_220 = tpu.memref_slice %arg4[%add3A_213, %dma_start3A_219] : memref<819200x128xf32, #tpu.memory_space<hbm>> -> memref<16x128xf32, #tpu.memory_space<hbm>>
      %dma_start3A_221 = arith.constant 0 : i32
      %dma_start3A_222 = tpu.memref_slice %arg4[%add3A_213, %dma_start3A_221] : memref<819200x128xf32, #tpu.memory_space<hbm>> -> memref<16x128xf32, #tpu.memory_space<hbm>>
      %dma_start3A_223 = arith.constant 0 : i32
      %dma_start3A_224 = arith.constant 0 : i32
      %dma_start3A_225 = tpu.memref_slice %arg6[%dma_start3A_214, %dma_start3A_223, %dma_start3A_224] : memref<8x16x128xf32, #tpu.memory_space<vmem>> -> memref<1x16x128xf32, #tpu.memory_space<vmem>>
      %dma_start3A_226 = tpu.memref_squeeze %dma_start3A_225 : memref<1x16x128xf32, #tpu.memory_space<vmem>> -> memref<16x128xf32, #tpu.memory_space<vmem>>
      tpu.enqueue_dma source(%dma_start3A_226 : memref<16x128xf32, #tpu.memory_space<vmem>>) target(%dma_start3A_222 : memref<16x128xf32, #tpu.memory_space<hbm>>) target_semaphore(%arg16 : memref<!tpu.dma_semaphore, #tpu.memory_space<semaphore_mem>>)
      %add3A_227 = arith.constant 8 : i32
      %add3A_228 = arith.addi %add3A_200, %add3A_227 : i32
      %sub3A = arith.constant 1 : i32
      %sub3A_229 = arith.subi %add3A_228, %sub3A : i32
      %lt3A = arith.constant 1600 : i32
      %lt3A_230 = arith.cmpi slt, %sub3A_229, %lt3A : i32
      %convert_element_type3A = arith.extui %lt3A_230 : i1 to i32
      %cond3A = arith.constant 0 : i32
      %cond3A_231 = arith.cmpi ne, %convert_element_type3A, %cond3A : i32
      scf.if %cond3A_231 {
        %ge3A = arith.constant 8 : i32
        %ge3A_505 = arith.cmpi sge, %sub3A_229, %ge3A : i32
        %convert_element_type3A_506 = arith.extui %ge3A_505 : i1 to i32
        %cond3A_507 = arith.constant 0 : i32
        %cond3A_508 = arith.cmpi ne, %convert_element_type3A_506, %cond3A_507 : i32
        scf.if %cond3A_508 {
          %dma_wait3A_520 = arith.constant 7 : i32
          %dma_wait3A_521 = arith.constant 0 : i32
          %dma_wait3A_522 = arith.constant 0 : i32
          %dma_wait3A_523 = tpu.memref_slice %arg6[%dma_wait3A_520, %dma_wait3A_521, %dma_wait3A_522] : memref<8x16x128xf32, #tpu.memory_space<vmem>> -> memref<1x16x128xf32, #tpu.memory_space<vmem>>
          %dma_wait3A_524 = tpu.memref_squeeze %dma_wait3A_523 : memref<1x16x128xf32, #tpu.memory_space<vmem>> -> memref<16x128xf32, #tpu.memory_space<vmem>>
          %dma_wait3A_525 = arith.constant 0 : i32
          %dma_wait3A_526 = tpu.memref_slice %arg4[%mul3A_2, %dma_wait3A_525] : memref<819200x128xf32, #tpu.memory_space<hbm>> -> memref<16x128xf32, #tpu.memory_space<hbm>>
          %dma_wait3A_527 = arith.constant 0 : i32
          %dma_wait3A_528 = tpu.memref_slice %arg4[%mul3A_2, %dma_wait3A_527] : memref<819200x128xf32, #tpu.memory_space<hbm>> -> memref<16x128xf32, #tpu.memory_space<hbm>>
          %dma_wait3A_529 = arith.constant 0 : i32
          %dma_wait3A_530 = arith.constant 0 : i32
          %dma_wait3A_531 = tpu.memref_slice %arg6[%dma_wait3A_520, %dma_wait3A_529, %dma_wait3A_530] : memref<8x16x128xf32, #tpu.memory_space<vmem>> -> memref<1x16x128xf32, #tpu.memory_space<vmem>>
          %dma_wait3A_532 = tpu.memref_squeeze %dma_wait3A_531 : memref<1x16x128xf32, #tpu.memory_space<vmem>> -> memref<16x128xf32, #tpu.memory_space<vmem>>
          tpu.wait_dma2 semaphore(%arg23 : memref<!tpu.dma_semaphore, #tpu.memory_space<semaphore_mem>>) src(%dma_wait3A_532 : memref<16x128xf32, #tpu.memory_space<vmem>>) dst(%dma_wait3A_528 : memref<16x128xf32, #tpu.memory_space<hbm>>)
        } else {
        }
        %mul3A_509 = arith.constant 16 : i32
        %mul3A_510 = arith.muli %sub3A_229, %mul3A_509 : i32
        %dma_start3A_511 = arith.constant 7 : i32
        %dma_start3A_512 = arith.constant 0 : i32
        %dma_start3A_513 = arith.constant 0 : i32
        %dma_start3A_514 = tpu.memref_slice %arg6[%dma_start3A_511, %dma_start3A_512, %dma_start3A_513] : memref<8x16x128xf32, #tpu.memory_space<vmem>> -> memref<1x16x128xf32, #tpu.memory_space<vmem>>
        %dma_start3A_515 = tpu.memref_squeeze %dma_start3A_514 : memref<1x16x128xf32, #tpu.memory_space<vmem>> -> memref<16x128xf32, #tpu.memory_space<vmem>>
        %dma_start3A_516 = tpu.memref_slice %arg5[%mul3A_510] : memref<25600xi32, #tpu.memory_space<vmem>> -> memref<16xi32, #tpu.memory_space<vmem>>
        %dma_start3A_517 = arith.constant 0 : i32
        %dma_start3A_518 = arith.constant 0 : i32
        %dma_start3A_519 = tpu.memref_slice %arg7[%dma_start3A_517, %dma_start3A_518] : memref<8192x128xf32, #tpu.memory_space<vmem_shared>> -> memref<8192x128xf32, #tpu.memory_space<vmem_shared>>
        tpu.enqueue_indirect_dma source(%dma_start3A_519 : memref<8192x128xf32, #tpu.memory_space<vmem_shared>>) target(%dma_start3A_515 : memref<16x128xf32, #tpu.memory_space<vmem>>) offsets(%dma_start3A_516 : memref<16xi32, #tpu.memory_space<vmem>>) semaphore(%arg15 : memref<!tpu.dma_semaphore, #tpu.memory_space<semaphore_mem>>)
      } else {
      }
      %mul3A_232 = arith.constant 8 : i32
      %mul3A_233 = arith.muli %scan3A_196, %mul3A_232 : i32
      %add3A_234 = arith.constant 1 : i32
      %add3A_235 = arith.addi %mul3A_233, %add3A_234 : i32
      %dma_wait3A_236 = arith.constant 1 : i32
      %dma_wait3A_237 = arith.constant 0 : i32
      %dma_wait3A_238 = arith.constant 0 : i32
      %dma_wait3A_239 = tpu.memref_slice %arg6[%dma_wait3A_236, %dma_wait3A_237, %dma_wait3A_238] : memref<8x16x128xf32, #tpu.memory_space<vmem>> -> memref<1x16x128xf32, #tpu.memory_space<vmem>>
      %dma_wait3A_240 = tpu.memref_squeeze %dma_wait3A_239 : memref<1x16x128xf32, #tpu.memory_space<vmem>> -> memref<16x128xf32, #tpu.memory_space<vmem>>
      %dma_wait3A_241 = arith.constant 0 : i32
      %dma_wait3A_242 = tpu.memref_slice %arg5[%dma_wait3A_241] : memref<25600xi32, #tpu.memory_space<vmem>> -> memref<16xi32, #tpu.memory_space<vmem>>
      %dma_wait3A_243 = arith.constant 0 : i32
      %dma_wait3A_244 = arith.constant 0 : i32
      %dma_wait3A_245 = tpu.memref_slice %arg7[%dma_wait3A_243, %dma_wait3A_244] : memref<8192x128xf32, #tpu.memory_space<vmem_shared>> -> memref<8192x128xf32, #tpu.memory_space<vmem_shared>>
      tpu.wait_indirect_dma semaphore(%arg9 : memref<!tpu.dma_semaphore, #tpu.memory_space<semaphore_mem>>) src(%dma_wait3A_245 : memref<8192x128xf32, #tpu.memory_space<vmem_shared>>) dst(%dma_wait3A_240 : memref<16x128xf32, #tpu.memory_space<vmem>>)
      %mul3A_246 = arith.constant 16 : i32
      %mul3A_247 = arith.muli %add3A_235, %mul3A_246 : i32
      %add3A_248 = arith.addi %mul3A_2, %mul3A_247 : i32
      %dma_start3A_249 = arith.constant 1 : i32
      %dma_start3A_250 = arith.constant 0 : i32
      %dma_start3A_251 = arith.constant 0 : i32
      %dma_start3A_252 = tpu.memref_slice %arg6[%dma_start3A_249, %dma_start3A_250, %dma_start3A_251] : memref<8x16x128xf32, #tpu.memory_space<vmem>> -> memref<1x16x128xf32, #tpu.memory_space<vmem>>
      %dma_start3A_253 = tpu.memref_squeeze %dma_start3A_252 : memref<1x16x128xf32, #tpu.memory_space<vmem>> -> memref<16x128xf32, #tpu.memory_space<vmem>>
      %dma_start3A_254 = arith.constant 0 : i32
      %dma_start3A_255 = tpu.memref_slice %arg4[%add3A_248, %dma_start3A_254] : memref<819200x128xf32, #tpu.memory_space<hbm>> -> memref<16x128xf32, #tpu.memory_space<hbm>>
      %dma_start3A_256 = arith.constant 0 : i32
      %dma_start3A_257 = tpu.memref_slice %arg4[%add3A_248, %dma_start3A_256] : memref<819200x128xf32, #tpu.memory_space<hbm>> -> memref<16x128xf32, #tpu.memory_space<hbm>>
      %dma_start3A_258 = arith.constant 0 : i32
      %dma_start3A_259 = arith.constant 0 : i32
      %dma_start3A_260 = tpu.memref_slice %arg6[%dma_start3A_249, %dma_start3A_258, %dma_start3A_259] : memref<8x16x128xf32, #tpu.memory_space<vmem>> -> memref<1x16x128xf32, #tpu.memory_space<vmem>>
      %dma_start3A_261 = tpu.memref_squeeze %dma_start3A_260 : memref<1x16x128xf32, #tpu.memory_space<vmem>> -> memref<16x128xf32, #tpu.memory_space<vmem>>
      tpu.enqueue_dma source(%dma_start3A_261 : memref<16x128xf32, #tpu.memory_space<vmem>>) target(%dma_start3A_257 : memref<16x128xf32, #tpu.memory_space<hbm>>) target_semaphore(%arg17 : memref<!tpu.dma_semaphore, #tpu.memory_space<semaphore_mem>>)
      %add3A_262 = arith.constant 8 : i32
      %add3A_263 = arith.addi %add3A_235, %add3A_262 : i32
      %sub3A_264 = arith.constant 1 : i32
      %sub3A_265 = arith.subi %add3A_263, %sub3A_264 : i32
      %lt3A_266 = arith.constant 1600 : i32
      %lt3A_267 = arith.cmpi slt, %sub3A_265, %lt3A_266 : i32
      %convert_element_type3A_268 = arith.extui %lt3A_267 : i1 to i32
      %cond3A_269 = arith.constant 0 : i32
      %cond3A_270 = arith.cmpi ne, %convert_element_type3A_268, %cond3A_269 : i32
      scf.if %cond3A_270 {
        %ge3A = arith.constant 8 : i32
        %ge3A_505 = arith.cmpi sge, %sub3A_265, %ge3A : i32
        %convert_element_type3A_506 = arith.extui %ge3A_505 : i1 to i32
        %cond3A_507 = arith.constant 0 : i32
        %cond3A_508 = arith.cmpi ne, %convert_element_type3A_506, %cond3A_507 : i32
        scf.if %cond3A_508 {
          %dma_wait3A_520 = arith.constant 0 : i32
          %dma_wait3A_521 = arith.constant 0 : i32
          %dma_wait3A_522 = arith.constant 0 : i32
          %dma_wait3A_523 = tpu.memref_slice %arg6[%dma_wait3A_520, %dma_wait3A_521, %dma_wait3A_522] : memref<8x16x128xf32, #tpu.memory_space<vmem>> -> memref<1x16x128xf32, #tpu.memory_space<vmem>>
          %dma_wait3A_524 = tpu.memref_squeeze %dma_wait3A_523 : memref<1x16x128xf32, #tpu.memory_space<vmem>> -> memref<16x128xf32, #tpu.memory_space<vmem>>
          %dma_wait3A_525 = arith.constant 0 : i32
          %dma_wait3A_526 = tpu.memref_slice %arg4[%mul3A_2, %dma_wait3A_525] : memref<819200x128xf32, #tpu.memory_space<hbm>> -> memref<16x128xf32, #tpu.memory_space<hbm>>
          %dma_wait3A_527 = arith.constant 0 : i32
          %dma_wait3A_528 = tpu.memref_slice %arg4[%mul3A_2, %dma_wait3A_527] : memref<819200x128xf32, #tpu.memory_space<hbm>> -> memref<16x128xf32, #tpu.memory_space<hbm>>
          %dma_wait3A_529 = arith.constant 0 : i32
          %dma_wait3A_530 = arith.constant 0 : i32
          %dma_wait3A_531 = tpu.memref_slice %arg6[%dma_wait3A_520, %dma_wait3A_529, %dma_wait3A_530] : memref<8x16x128xf32, #tpu.memory_space<vmem>> -> memref<1x16x128xf32, #tpu.memory_space<vmem>>
          %dma_wait3A_532 = tpu.memref_squeeze %dma_wait3A_531 : memref<1x16x128xf32, #tpu.memory_space<vmem>> -> memref<16x128xf32, #tpu.memory_space<vmem>>
          tpu.wait_dma2 semaphore(%arg16 : memref<!tpu.dma_semaphore, #tpu.memory_space<semaphore_mem>>) src(%dma_wait3A_532 : memref<16x128xf32, #tpu.memory_space<vmem>>) dst(%dma_wait3A_528 : memref<16x128xf32, #tpu.memory_space<hbm>>)
        } else {
        }
        %mul3A_509 = arith.constant 16 : i32
        %mul3A_510 = arith.muli %sub3A_265, %mul3A_509 : i32
        %dma_start3A_511 = arith.constant 0 : i32
        %dma_start3A_512 = arith.constant 0 : i32
        %dma_start3A_513 = arith.constant 0 : i32
        %dma_start3A_514 = tpu.memref_slice %arg6[%dma_start3A_511, %dma_start3A_512, %dma_start3A_513] : memref<8x16x128xf32, #tpu.memory_space<vmem>> -> memref<1x16x128xf32, #tpu.memory_space<vmem>>
        %dma_start3A_515 = tpu.memref_squeeze %dma_start3A_514 : memref<1x16x128xf32, #tpu.memory_space<vmem>> -> memref<16x128xf32, #tpu.memory_space<vmem>>
        %dma_start3A_516 = tpu.memref_slice %arg5[%mul3A_510] : memref<25600xi32, #tpu.memory_space<vmem>> -> memref<16xi32, #tpu.memory_space<vmem>>
        %dma_start3A_517 = arith.constant 0 : i32
        %dma_start3A_518 = arith.constant 0 : i32
        %dma_start3A_519 = tpu.memref_slice %arg7[%dma_start3A_517, %dma_start3A_518] : memref<8192x128xf32, #tpu.memory_space<vmem_shared>> -> memref<8192x128xf32, #tpu.memory_space<vmem_shared>>
        tpu.enqueue_indirect_dma source(%dma_start3A_519 : memref<8192x128xf32, #tpu.memory_space<vmem_shared>>) target(%dma_start3A_515 : memref<16x128xf32, #tpu.memory_space<vmem>>) offsets(%dma_start3A_516 : memref<16xi32, #tpu.memory_space<vmem>>) semaphore(%arg8 : memref<!tpu.dma_semaphore, #tpu.memory_space<semaphore_mem>>)
      } else {
      }
      %mul3A_271 = arith.constant 8 : i32
      %mul3A_272 = arith.muli %scan3A_196, %mul3A_271 : i32
      %add3A_273 = arith.constant 2 : i32
      %add3A_274 = arith.addi %mul3A_272, %add3A_273 : i32
      %dma_wait3A_275 = arith.constant 2 : i32
      %dma_wait3A_276 = arith.constant 0 : i32
      %dma_wait3A_277 = arith.constant 0 : i32
      %dma_wait3A_278 = tpu.memref_slice %arg6[%dma_wait3A_275, %dma_wait3A_276, %dma_wait3A_277] : memref<8x16x128xf32, #tpu.memory_space<vmem>> -> memref<1x16x128xf32, #tpu.memory_space<vmem>>
      %dma_wait3A_279 = tpu.memref_squeeze %dma_wait3A_278 : memref<1x16x128xf32, #tpu.memory_space<vmem>> -> memref<16x128xf32, #tpu.memory_space<vmem>>
      %dma_wait3A_280 = arith.constant 0 : i32
      %dma_wait3A_281 = tpu.memref_slice %arg5[%dma_wait3A_280] : memref<25600xi32, #tpu.memory_space<vmem>> -> memref<16xi32, #tpu.memory_space<vmem>>
      %dma_wait3A_282 = arith.constant 0 : i32
      %dma_wait3A_283 = arith.constant 0 : i32
      %dma_wait3A_284 = tpu.memref_slice %arg7[%dma_wait3A_282, %dma_wait3A_283] : memref<8192x128xf32, #tpu.memory_space<vmem_shared>> -> memref<8192x128xf32, #tpu.memory_space<vmem_shared>>
      tpu.wait_indirect_dma semaphore(%arg10 : memref<!tpu.dma_semaphore, #tpu.memory_space<semaphore_mem>>) src(%dma_wait3A_284 : memref<8192x128xf32, #tpu.memory_space<vmem_shared>>) dst(%dma_wait3A_279 : memref<16x128xf32, #tpu.memory_space<vmem>>)
      %mul3A_285 = arith.constant 16 : i32
      %mul3A_286 = arith.muli %add3A_274, %mul3A_285 : i32
      %add3A_287 = arith.addi %mul3A_2, %mul3A_286 : i32
      %dma_start3A_288 = arith.constant 2 : i32
      %dma_start3A_289 = arith.constant 0 : i32
      %dma_start3A_290 = arith.constant 0 : i32
      %dma_start3A_291 = tpu.memref_slice %arg6[%dma_start3A_288, %dma_start3A_289, %dma_start3A_290] : memref<8x16x128xf32, #tpu.memory_space<vmem>> -> memref<1x16x128xf32, #tpu.memory_space<vmem>>
      %dma_start3A_292 = tpu.memref_squeeze %dma_start3A_291 : memref<1x16x128xf32, #tpu.memory_space<vmem>> -> memref<16x128xf32, #tpu.memory_space<vmem>>
      %dma_start3A_293 = arith.constant 0 : i32
      %dma_start3A_294 = tpu.memref_slice %arg4[%add3A_287, %dma_start3A_293] : memref<819200x128xf32, #tpu.memory_space<hbm>> -> memref<16x128xf32, #tpu.memory_space<hbm>>
      %dma_start3A_295 = arith.constant 0 : i32
      %dma_start3A_296 = tpu.memref_slice %arg4[%add3A_287, %dma_start3A_295] : memref<819200x128xf32, #tpu.memory_space<hbm>> -> memref<16x128xf32, #tpu.memory_space<hbm>>
      %dma_start3A_297 = arith.constant 0 : i32
      %dma_start3A_298 = arith.constant 0 : i32
      %dma_start3A_299 = tpu.memref_slice %arg6[%dma_start3A_288, %dma_start3A_297, %dma_start3A_298] : memref<8x16x128xf32, #tpu.memory_space<vmem>> -> memref<1x16x128xf32, #tpu.memory_space<vmem>>
      %dma_start3A_300 = tpu.memref_squeeze %dma_start3A_299 : memref<1x16x128xf32, #tpu.memory_space<vmem>> -> memref<16x128xf32, #tpu.memory_space<vmem>>
      tpu.enqueue_dma source(%dma_start3A_300 : memref<16x128xf32, #tpu.memory_space<vmem>>) target(%dma_start3A_296 : memref<16x128xf32, #tpu.memory_space<hbm>>) target_semaphore(%arg18 : memref<!tpu.dma_semaphore, #tpu.memory_space<semaphore_mem>>)
      %add3A_301 = arith.constant 8 : i32
      %add3A_302 = arith.addi %add3A_274, %add3A_301 : i32
      %sub3A_303 = arith.constant 1 : i32
      %sub3A_304 = arith.subi %add3A_302, %sub3A_303 : i32
      %lt3A_305 = arith.constant 1600 : i32
      %lt3A_306 = arith.cmpi slt, %sub3A_304, %lt3A_305 : i32
      %convert_element_type3A_307 = arith.extui %lt3A_306 : i1 to i32
      %cond3A_308 = arith.constant 0 : i32
      %cond3A_309 = arith.cmpi ne, %convert_element_type3A_307, %cond3A_308 : i32
      scf.if %cond3A_309 {
        %ge3A = arith.constant 8 : i32
        %ge3A_505 = arith.cmpi sge, %sub3A_304, %ge3A : i32
        %convert_element_type3A_506 = arith.extui %ge3A_505 : i1 to i32
        %cond3A_507 = arith.constant 0 : i32
        %cond3A_508 = arith.cmpi ne, %convert_element_type3A_506, %cond3A_507 : i32
        scf.if %cond3A_508 {
          %dma_wait3A_520 = arith.constant 1 : i32
          %dma_wait3A_521 = arith.constant 0 : i32
          %dma_wait3A_522 = arith.constant 0 : i32
          %dma_wait3A_523 = tpu.memref_slice %arg6[%dma_wait3A_520, %dma_wait3A_521, %dma_wait3A_522] : memref<8x16x128xf32, #tpu.memory_space<vmem>> -> memref<1x16x128xf32, #tpu.memory_space<vmem>>
          %dma_wait3A_524 = tpu.memref_squeeze %dma_wait3A_523 : memref<1x16x128xf32, #tpu.memory_space<vmem>> -> memref<16x128xf32, #tpu.memory_space<vmem>>
          %dma_wait3A_525 = arith.constant 0 : i32
          %dma_wait3A_526 = tpu.memref_slice %arg4[%mul3A_2, %dma_wait3A_525] : memref<819200x128xf32, #tpu.memory_space<hbm>> -> memref<16x128xf32, #tpu.memory_space<hbm>>
          %dma_wait3A_527 = arith.constant 0 : i32
          %dma_wait3A_528 = tpu.memref_slice %arg4[%mul3A_2, %dma_wait3A_527] : memref<819200x128xf32, #tpu.memory_space<hbm>> -> memref<16x128xf32, #tpu.memory_space<hbm>>
          %dma_wait3A_529 = arith.constant 0 : i32
          %dma_wait3A_530 = arith.constant 0 : i32
          %dma_wait3A_531 = tpu.memref_slice %arg6[%dma_wait3A_520, %dma_wait3A_529, %dma_wait3A_530] : memref<8x16x128xf32, #tpu.memory_space<vmem>> -> memref<1x16x128xf32, #tpu.memory_space<vmem>>
          %dma_wait3A_532 = tpu.memref_squeeze %dma_wait3A_531 : memref<1x16x128xf32, #tpu.memory_space<vmem>> -> memref<16x128xf32, #tpu.memory_space<vmem>>
          tpu.wait_dma2 semaphore(%arg17 : memref<!tpu.dma_semaphore, #tpu.memory_space<semaphore_mem>>) src(%dma_wait3A_532 : memref<16x128xf32, #tpu.memory_space<vmem>>) dst(%dma_wait3A_528 : memref<16x128xf32, #tpu.memory_space<hbm>>)
        } else {
        }
        %mul3A_509 = arith.constant 16 : i32
        %mul3A_510 = arith.muli %sub3A_304, %mul3A_509 : i32
        %dma_start3A_511 = arith.constant 1 : i32
        %dma_start3A_512 = arith.constant 0 : i32
        %dma_start3A_513 = arith.constant 0 : i32
        %dma_start3A_514 = tpu.memref_slice %arg6[%dma_start3A_511, %dma_start3A_512, %dma_start3A_513] : memref<8x16x128xf32, #tpu.memory_space<vmem>> -> memref<1x16x128xf32, #tpu.memory_space<vmem>>
        %dma_start3A_515 = tpu.memref_squeeze %dma_start3A_514 : memref<1x16x128xf32, #tpu.memory_space<vmem>> -> memref<16x128xf32, #tpu.memory_space<vmem>>
        %dma_start3A_516 = tpu.memref_slice %arg5[%mul3A_510] : memref<25600xi32, #tpu.memory_space<vmem>> -> memref<16xi32, #tpu.memory_space<vmem>>
        %dma_start3A_517 = arith.constant 0 : i32
        %dma_start3A_518 = arith.constant 0 : i32
        %dma_start3A_519 = tpu.memref_slice %arg7[%dma_start3A_517, %dma_start3A_518] : memref<8192x128xf32, #tpu.memory_space<vmem_shared>> -> memref<8192x128xf32, #tpu.memory_space<vmem_shared>>
        tpu.enqueue_indirect_dma source(%dma_start3A_519 : memref<8192x128xf32, #tpu.memory_space<vmem_shared>>) target(%dma_start3A_515 : memref<16x128xf32, #tpu.memory_space<vmem>>) offsets(%dma_start3A_516 : memref<16xi32, #tpu.memory_space<vmem>>) semaphore(%arg9 : memref<!tpu.dma_semaphore, #tpu.memory_space<semaphore_mem>>)
      } else {
      }
      %mul3A_310 = arith.constant 8 : i32
      %mul3A_311 = arith.muli %scan3A_196, %mul3A_310 : i32
      %add3A_312 = arith.constant 3 : i32
      %add3A_313 = arith.addi %mul3A_311, %add3A_312 : i32
      %dma_wait3A_314 = arith.constant 3 : i32
      %dma_wait3A_315 = arith.constant 0 : i32
      %dma_wait3A_316 = arith.constant 0 : i32
      %dma_wait3A_317 = tpu.memref_slice %arg6[%dma_wait3A_314, %dma_wait3A_315, %dma_wait3A_316] : memref<8x16x128xf32, #tpu.memory_space<vmem>> -> memref<1x16x128xf32, #tpu.memory_space<vmem>>
      %dma_wait3A_318 = tpu.memref_squeeze %dma_wait3A_317 : memref<1x16x128xf32, #tpu.memory_space<vmem>> -> memref<16x128xf32, #tpu.memory_space<vmem>>
      %dma_wait3A_319 = arith.constant 0 : i32
      %dma_wait3A_320 = tpu.memref_slice %arg5[%dma_wait3A_319] : memref<25600xi32, #tpu.memory_space<vmem>> -> memref<16xi32, #tpu.memory_space<vmem>>
      %dma_wait3A_321 = arith.constant 0 : i32
      %dma_wait3A_322 = arith.constant 0 : i32
      %dma_wait3A_323 = tpu.memref_slice %arg7[%dma_wait3A_321, %dma_wait3A_322] : memref<8192x128xf32, #tpu.memory_space<vmem_shared>> -> memref<8192x128xf32, #tpu.memory_space<vmem_shared>>
      tpu.wait_indirect_dma semaphore(%arg11 : memref<!tpu.dma_semaphore, #tpu.memory_space<semaphore_mem>>) src(%dma_wait3A_323 : memref<8192x128xf32, #tpu.memory_space<vmem_shared>>) dst(%dma_wait3A_318 : memref<16x128xf32, #tpu.memory_space<vmem>>)
      %mul3A_324 = arith.constant 16 : i32
      %mul3A_325 = arith.muli %add3A_313, %mul3A_324 : i32
      %add3A_326 = arith.addi %mul3A_2, %mul3A_325 : i32
      %dma_start3A_327 = arith.constant 3 : i32
      %dma_start3A_328 = arith.constant 0 : i32
      %dma_start3A_329 = arith.constant 0 : i32
      %dma_start3A_330 = tpu.memref_slice %arg6[%dma_start3A_327, %dma_start3A_328, %dma_start3A_329] : memref<8x16x128xf32, #tpu.memory_space<vmem>> -> memref<1x16x128xf32, #tpu.memory_space<vmem>>
      %dma_start3A_331 = tpu.memref_squeeze %dma_start3A_330 : memref<1x16x128xf32, #tpu.memory_space<vmem>> -> memref<16x128xf32, #tpu.memory_space<vmem>>
      %dma_start3A_332 = arith.constant 0 : i32
      %dma_start3A_333 = tpu.memref_slice %arg4[%add3A_326, %dma_start3A_332] : memref<819200x128xf32, #tpu.memory_space<hbm>> -> memref<16x128xf32, #tpu.memory_space<hbm>>
      %dma_start3A_334 = arith.constant 0 : i32
      %dma_start3A_335 = tpu.memref_slice %arg4[%add3A_326, %dma_start3A_334] : memref<819200x128xf32, #tpu.memory_space<hbm>> -> memref<16x128xf32, #tpu.memory_space<hbm>>
      %dma_start3A_336 = arith.constant 0 : i32
      %dma_start3A_337 = arith.constant 0 : i32
      %dma_start3A_338 = tpu.memref_slice %arg6[%dma_start3A_327, %dma_start3A_336, %dma_start3A_337] : memref<8x16x128xf32, #tpu.memory_space<vmem>> -> memref<1x16x128xf32, #tpu.memory_space<vmem>>
      %dma_start3A_339 = tpu.memref_squeeze %dma_start3A_338 : memref<1x16x128xf32, #tpu.memory_space<vmem>> -> memref<16x128xf32, #tpu.memory_space<vmem>>
      tpu.enqueue_dma source(%dma_start3A_339 : memref<16x128xf32, #tpu.memory_space<vmem>>) target(%dma_start3A_335 : memref<16x128xf32, #tpu.memory_space<hbm>>) target_semaphore(%arg19 : memref<!tpu.dma_semaphore, #tpu.memory_space<semaphore_mem>>)
      %add3A_340 = arith.constant 8 : i32
      %add3A_341 = arith.addi %add3A_313, %add3A_340 : i32
      %sub3A_342 = arith.constant 1 : i32
      %sub3A_343 = arith.subi %add3A_341, %sub3A_342 : i32
      %lt3A_344 = arith.constant 1600 : i32
      %lt3A_345 = arith.cmpi slt, %sub3A_343, %lt3A_344 : i32
      %convert_element_type3A_346 = arith.extui %lt3A_345 : i1 to i32
      %cond3A_347 = arith.constant 0 : i32
      %cond3A_348 = arith.cmpi ne, %convert_element_type3A_346, %cond3A_347 : i32
      scf.if %cond3A_348 {
        %ge3A = arith.constant 8 : i32
        %ge3A_505 = arith.cmpi sge, %sub3A_343, %ge3A : i32
        %convert_element_type3A_506 = arith.extui %ge3A_505 : i1 to i32
        %cond3A_507 = arith.constant 0 : i32
        %cond3A_508 = arith.cmpi ne, %convert_element_type3A_506, %cond3A_507 : i32
        scf.if %cond3A_508 {
          %dma_wait3A_520 = arith.constant 2 : i32
          %dma_wait3A_521 = arith.constant 0 : i32
          %dma_wait3A_522 = arith.constant 0 : i32
          %dma_wait3A_523 = tpu.memref_slice %arg6[%dma_wait3A_520, %dma_wait3A_521, %dma_wait3A_522] : memref<8x16x128xf32, #tpu.memory_space<vmem>> -> memref<1x16x128xf32, #tpu.memory_space<vmem>>
          %dma_wait3A_524 = tpu.memref_squeeze %dma_wait3A_523 : memref<1x16x128xf32, #tpu.memory_space<vmem>> -> memref<16x128xf32, #tpu.memory_space<vmem>>
          %dma_wait3A_525 = arith.constant 0 : i32
          %dma_wait3A_526 = tpu.memref_slice %arg4[%mul3A_2, %dma_wait3A_525] : memref<819200x128xf32, #tpu.memory_space<hbm>> -> memref<16x128xf32, #tpu.memory_space<hbm>>
          %dma_wait3A_527 = arith.constant 0 : i32
          %dma_wait3A_528 = tpu.memref_slice %arg4[%mul3A_2, %dma_wait3A_527] : memref<819200x128xf32, #tpu.memory_space<hbm>> -> memref<16x128xf32, #tpu.memory_space<hbm>>
          %dma_wait3A_529 = arith.constant 0 : i32
          %dma_wait3A_530 = arith.constant 0 : i32
          %dma_wait3A_531 = tpu.memref_slice %arg6[%dma_wait3A_520, %dma_wait3A_529, %dma_wait3A_530] : memref<8x16x128xf32, #tpu.memory_space<vmem>> -> memref<1x16x128xf32, #tpu.memory_space<vmem>>
          %dma_wait3A_532 = tpu.memref_squeeze %dma_wait3A_531 : memref<1x16x128xf32, #tpu.memory_space<vmem>> -> memref<16x128xf32, #tpu.memory_space<vmem>>
          tpu.wait_dma2 semaphore(%arg18 : memref<!tpu.dma_semaphore, #tpu.memory_space<semaphore_mem>>) src(%dma_wait3A_532 : memref<16x128xf32, #tpu.memory_space<vmem>>) dst(%dma_wait3A_528 : memref<16x128xf32, #tpu.memory_space<hbm>>)
        } else {
        }
        %mul3A_509 = arith.constant 16 : i32
        %mul3A_510 = arith.muli %sub3A_343, %mul3A_509 : i32
        %dma_start3A_511 = arith.constant 2 : i32
        %dma_start3A_512 = arith.constant 0 : i32
        %dma_start3A_513 = arith.constant 0 : i32
        %dma_start3A_514 = tpu.memref_slice %arg6[%dma_start3A_511, %dma_start3A_512, %dma_start3A_513] : memref<8x16x128xf32, #tpu.memory_space<vmem>> -> memref<1x16x128xf32, #tpu.memory_space<vmem>>
        %dma_start3A_515 = tpu.memref_squeeze %dma_start3A_514 : memref<1x16x128xf32, #tpu.memory_space<vmem>> -> memref<16x128xf32, #tpu.memory_space<vmem>>
        %dma_start3A_516 = tpu.memref_slice %arg5[%mul3A_510] : memref<25600xi32, #tpu.memory_space<vmem>> -> memref<16xi32, #tpu.memory_space<vmem>>
        %dma_start3A_517 = arith.constant 0 : i32
        %dma_start3A_518 = arith.constant 0 : i32
        %dma_start3A_519 = tpu.memref_slice %arg7[%dma_start3A_517, %dma_start3A_518] : memref<8192x128xf32, #tpu.memory_space<vmem_shared>> -> memref<8192x128xf32, #tpu.memory_space<vmem_shared>>
        tpu.enqueue_indirect_dma source(%dma_start3A_519 : memref<8192x128xf32, #tpu.memory_space<vmem_shared>>) target(%dma_start3A_515 : memref<16x128xf32, #tpu.memory_space<vmem>>) offsets(%dma_start3A_516 : memref<16xi32, #tpu.memory_space<vmem>>) semaphore(%arg10 : memref<!tpu.dma_semaphore, #tpu.memory_space<semaphore_mem>>)
      } else {
      }
      %mul3A_349 = arith.constant 8 : i32
      %mul3A_350 = arith.muli %scan3A_196, %mul3A_349 : i32
      %add3A_351 = arith.constant 4 : i32
      %add3A_352 = arith.addi %mul3A_350, %add3A_351 : i32
      %dma_wait3A_353 = arith.constant 4 : i32
      %dma_wait3A_354 = arith.constant 0 : i32
      %dma_wait3A_355 = arith.constant 0 : i32
      %dma_wait3A_356 = tpu.memref_slice %arg6[%dma_wait3A_353, %dma_wait3A_354, %dma_wait3A_355] : memref<8x16x128xf32, #tpu.memory_space<vmem>> -> memref<1x16x128xf32, #tpu.memory_space<vmem>>
      %dma_wait3A_357 = tpu.memref_squeeze %dma_wait3A_356 : memref<1x16x128xf32, #tpu.memory_space<vmem>> -> memref<16x128xf32, #tpu.memory_space<vmem>>
      %dma_wait3A_358 = arith.constant 0 : i32
      %dma_wait3A_359 = tpu.memref_slice %arg5[%dma_wait3A_358] : memref<25600xi32, #tpu.memory_space<vmem>> -> memref<16xi32, #tpu.memory_space<vmem>>
      %dma_wait3A_360 = arith.constant 0 : i32
      %dma_wait3A_361 = arith.constant 0 : i32
      %dma_wait3A_362 = tpu.memref_slice %arg7[%dma_wait3A_360, %dma_wait3A_361] : memref<8192x128xf32, #tpu.memory_space<vmem_shared>> -> memref<8192x128xf32, #tpu.memory_space<vmem_shared>>
      tpu.wait_indirect_dma semaphore(%arg12 : memref<!tpu.dma_semaphore, #tpu.memory_space<semaphore_mem>>) src(%dma_wait3A_362 : memref<8192x128xf32, #tpu.memory_space<vmem_shared>>) dst(%dma_wait3A_357 : memref<16x128xf32, #tpu.memory_space<vmem>>)
      %mul3A_363 = arith.constant 16 : i32
      %mul3A_364 = arith.muli %add3A_352, %mul3A_363 : i32
      %add3A_365 = arith.addi %mul3A_2, %mul3A_364 : i32
      %dma_start3A_366 = arith.constant 4 : i32
      %dma_start3A_367 = arith.constant 0 : i32
      %dma_start3A_368 = arith.constant 0 : i32
      %dma_start3A_369 = tpu.memref_slice %arg6[%dma_start3A_366, %dma_start3A_367, %dma_start3A_368] : memref<8x16x128xf32, #tpu.memory_space<vmem>> -> memref<1x16x128xf32, #tpu.memory_space<vmem>>
      %dma_start3A_370 = tpu.memref_squeeze %dma_start3A_369 : memref<1x16x128xf32, #tpu.memory_space<vmem>> -> memref<16x128xf32, #tpu.memory_space<vmem>>
      %dma_start3A_371 = arith.constant 0 : i32
      %dma_start3A_372 = tpu.memref_slice %arg4[%add3A_365, %dma_start3A_371] : memref<819200x128xf32, #tpu.memory_space<hbm>> -> memref<16x128xf32, #tpu.memory_space<hbm>>
      %dma_start3A_373 = arith.constant 0 : i32
      %dma_start3A_374 = tpu.memref_slice %arg4[%add3A_365, %dma_start3A_373] : memref<819200x128xf32, #tpu.memory_space<hbm>> -> memref<16x128xf32, #tpu.memory_space<hbm>>
      %dma_start3A_375 = arith.constant 0 : i32
      %dma_start3A_376 = arith.constant 0 : i32
      %dma_start3A_377 = tpu.memref_slice %arg6[%dma_start3A_366, %dma_start3A_375, %dma_start3A_376] : memref<8x16x128xf32, #tpu.memory_space<vmem>> -> memref<1x16x128xf32, #tpu.memory_space<vmem>>
      %dma_start3A_378 = tpu.memref_squeeze %dma_start3A_377 : memref<1x16x128xf32, #tpu.memory_space<vmem>> -> memref<16x128xf32, #tpu.memory_space<vmem>>
      tpu.enqueue_dma source(%dma_start3A_378 : memref<16x128xf32, #tpu.memory_space<vmem>>) target(%dma_start3A_374 : memref<16x128xf32, #tpu.memory_space<hbm>>) target_semaphore(%arg20 : memref<!tpu.dma_semaphore, #tpu.memory_space<semaphore_mem>>)
      %add3A_379 = arith.constant 8 : i32
      %add3A_380 = arith.addi %add3A_352, %add3A_379 : i32
      %sub3A_381 = arith.constant 1 : i32
      %sub3A_382 = arith.subi %add3A_380, %sub3A_381 : i32
      %lt3A_383 = arith.constant 1600 : i32
      %lt3A_384 = arith.cmpi slt, %sub3A_382, %lt3A_383 : i32
      %convert_element_type3A_385 = arith.extui %lt3A_384 : i1 to i32
      %cond3A_386 = arith.constant 0 : i32
      %cond3A_387 = arith.cmpi ne, %convert_element_type3A_385, %cond3A_386 : i32
      scf.if %cond3A_387 {
        %ge3A = arith.constant 8 : i32
        %ge3A_505 = arith.cmpi sge, %sub3A_382, %ge3A : i32
        %convert_element_type3A_506 = arith.extui %ge3A_505 : i1 to i32
        %cond3A_507 = arith.constant 0 : i32
        %cond3A_508 = arith.cmpi ne, %convert_element_type3A_506, %cond3A_507 : i32
        scf.if %cond3A_508 {
          %dma_wait3A_520 = arith.constant 3 : i32
          %dma_wait3A_521 = arith.constant 0 : i32
          %dma_wait3A_522 = arith.constant 0 : i32
          %dma_wait3A_523 = tpu.memref_slice %arg6[%dma_wait3A_520, %dma_wait3A_521, %dma_wait3A_522] : memref<8x16x128xf32, #tpu.memory_space<vmem>> -> memref<1x16x128xf32, #tpu.memory_space<vmem>>
          %dma_wait3A_524 = tpu.memref_squeeze %dma_wait3A_523 : memref<1x16x128xf32, #tpu.memory_space<vmem>> -> memref<16x128xf32, #tpu.memory_space<vmem>>
          %dma_wait3A_525 = arith.constant 0 : i32
          %dma_wait3A_526 = tpu.memref_slice %arg4[%mul3A_2, %dma_wait3A_525] : memref<819200x128xf32, #tpu.memory_space<hbm>> -> memref<16x128xf32, #tpu.memory_space<hbm>>
          %dma_wait3A_527 = arith.constant 0 : i32
          %dma_wait3A_528 = tpu.memref_slice %arg4[%mul3A_2, %dma_wait3A_527] : memref<819200x128xf32, #tpu.memory_space<hbm>> -> memref<16x128xf32, #tpu.memory_space<hbm>>
          %dma_wait3A_529 = arith.constant 0 : i32
          %dma_wait3A_530 = arith.constant 0 : i32
          %dma_wait3A_531 = tpu.memref_slice %arg6[%dma_wait3A_520, %dma_wait3A_529, %dma_wait3A_530] : memref<8x16x128xf32, #tpu.memory_space<vmem>> -> memref<1x16x128xf32, #tpu.memory_space<vmem>>
          %dma_wait3A_532 = tpu.memref_squeeze %dma_wait3A_531 : memref<1x16x128xf32, #tpu.memory_space<vmem>> -> memref<16x128xf32, #tpu.memory_space<vmem>>
          tpu.wait_dma2 semaphore(%arg19 : memref<!tpu.dma_semaphore, #tpu.memory_space<semaphore_mem>>) src(%dma_wait3A_532 : memref<16x128xf32, #tpu.memory_space<vmem>>) dst(%dma_wait3A_528 : memref<16x128xf32, #tpu.memory_space<hbm>>)
        } else {
        }
        %mul3A_509 = arith.constant 16 : i32
        %mul3A_510 = arith.muli %sub3A_382, %mul3A_509 : i32
        %dma_start3A_511 = arith.constant 3 : i32
        %dma_start3A_512 = arith.constant 0 : i32
        %dma_start3A_513 = arith.constant 0 : i32
        %dma_start3A_514 = tpu.memref_slice %arg6[%dma_start3A_511, %dma_start3A_512, %dma_start3A_513] : memref<8x16x128xf32, #tpu.memory_space<vmem>> -> memref<1x16x128xf32, #tpu.memory_space<vmem>>
        %dma_start3A_515 = tpu.memref_squeeze %dma_start3A_514 : memref<1x16x128xf32, #tpu.memory_space<vmem>> -> memref<16x128xf32, #tpu.memory_space<vmem>>
        %dma_start3A_516 = tpu.memref_slice %arg5[%mul3A_510] : memref<25600xi32, #tpu.memory_space<vmem>> -> memref<16xi32, #tpu.memory_space<vmem>>
        %dma_start3A_517 = arith.constant 0 : i32
        %dma_start3A_518 = arith.constant 0 : i32
        %dma_start3A_519 = tpu.memref_slice %arg7[%dma_start3A_517, %dma_start3A_518] : memref<8192x128xf32, #tpu.memory_space<vmem_shared>> -> memref<8192x128xf32, #tpu.memory_space<vmem_shared>>
        tpu.enqueue_indirect_dma source(%dma_start3A_519 : memref<8192x128xf32, #tpu.memory_space<vmem_shared>>) target(%dma_start3A_515 : memref<16x128xf32, #tpu.memory_space<vmem>>) offsets(%dma_start3A_516 : memref<16xi32, #tpu.memory_space<vmem>>) semaphore(%arg11 : memref<!tpu.dma_semaphore, #tpu.memory_space<semaphore_mem>>)
      } else {
      }
      %mul3A_388 = arith.constant 8 : i32
      %mul3A_389 = arith.muli %scan3A_196, %mul3A_388 : i32
      %add3A_390 = arith.constant 5 : i32
      %add3A_391 = arith.addi %mul3A_389, %add3A_390 : i32
      %dma_wait3A_392 = arith.constant 5 : i32
      %dma_wait3A_393 = arith.constant 0 : i32
      %dma_wait3A_394 = arith.constant 0 : i32
      %dma_wait3A_395 = tpu.memref_slice %arg6[%dma_wait3A_392, %dma_wait3A_393, %dma_wait3A_394] : memref<8x16x128xf32, #tpu.memory_space<vmem>> -> memref<1x16x128xf32, #tpu.memory_space<vmem>>
      %dma_wait3A_396 = tpu.memref_squeeze %dma_wait3A_395 : memref<1x16x128xf32, #tpu.memory_space<vmem>> -> memref<16x128xf32, #tpu.memory_space<vmem>>
      %dma_wait3A_397 = arith.constant 0 : i32
      %dma_wait3A_398 = tpu.memref_slice %arg5[%dma_wait3A_397] : memref<25600xi32, #tpu.memory_space<vmem>> -> memref<16xi32, #tpu.memory_space<vmem>>
      %dma_wait3A_399 = arith.constant 0 : i32
      %dma_wait3A_400 = arith.constant 0 : i32
      %dma_wait3A_401 = tpu.memref_slice %arg7[%dma_wait3A_399, %dma_wait3A_400] : memref<8192x128xf32, #tpu.memory_space<vmem_shared>> -> memref<8192x128xf32, #tpu.memory_space<vmem_shared>>
      tpu.wait_indirect_dma semaphore(%arg13 : memref<!tpu.dma_semaphore, #tpu.memory_space<semaphore_mem>>) src(%dma_wait3A_401 : memref<8192x128xf32, #tpu.memory_space<vmem_shared>>) dst(%dma_wait3A_396 : memref<16x128xf32, #tpu.memory_space<vmem>>)
      %mul3A_402 = arith.constant 16 : i32
      %mul3A_403 = arith.muli %add3A_391, %mul3A_402 : i32
      %add3A_404 = arith.addi %mul3A_2, %mul3A_403 : i32
      %dma_start3A_405 = arith.constant 5 : i32
      %dma_start3A_406 = arith.constant 0 : i32
      %dma_start3A_407 = arith.constant 0 : i32
      %dma_start3A_408 = tpu.memref_slice %arg6[%dma_start3A_405, %dma_start3A_406, %dma_start3A_407] : memref<8x16x128xf32, #tpu.memory_space<vmem>> -> memref<1x16x128xf32, #tpu.memory_space<vmem>>
      %dma_start3A_409 = tpu.memref_squeeze %dma_start3A_408 : memref<1x16x128xf32, #tpu.memory_space<vmem>> -> memref<16x128xf32, #tpu.memory_space<vmem>>
      %dma_start3A_410 = arith.constant 0 : i32
      %dma_start3A_411 = tpu.memref_slice %arg4[%add3A_404, %dma_start3A_410] : memref<819200x128xf32, #tpu.memory_space<hbm>> -> memref<16x128xf32, #tpu.memory_space<hbm>>
      %dma_start3A_412 = arith.constant 0 : i32
      %dma_start3A_413 = tpu.memref_slice %arg4[%add3A_404, %dma_start3A_412] : memref<819200x128xf32, #tpu.memory_space<hbm>> -> memref<16x128xf32, #tpu.memory_space<hbm>>
      %dma_start3A_414 = arith.constant 0 : i32
      %dma_start3A_415 = arith.constant 0 : i32
      %dma_start3A_416 = tpu.memref_slice %arg6[%dma_start3A_405, %dma_start3A_414, %dma_start3A_415] : memref<8x16x128xf32, #tpu.memory_space<vmem>> -> memref<1x16x128xf32, #tpu.memory_space<vmem>>
      %dma_start3A_417 = tpu.memref_squeeze %dma_start3A_416 : memref<1x16x128xf32, #tpu.memory_space<vmem>> -> memref<16x128xf32, #tpu.memory_space<vmem>>
      tpu.enqueue_dma source(%dma_start3A_417 : memref<16x128xf32, #tpu.memory_space<vmem>>) target(%dma_start3A_413 : memref<16x128xf32, #tpu.memory_space<hbm>>) target_semaphore(%arg21 : memref<!tpu.dma_semaphore, #tpu.memory_space<semaphore_mem>>)
      %add3A_418 = arith.constant 8 : i32
      %add3A_419 = arith.addi %add3A_391, %add3A_418 : i32
      %sub3A_420 = arith.constant 1 : i32
      %sub3A_421 = arith.subi %add3A_419, %sub3A_420 : i32
      %lt3A_422 = arith.constant 1600 : i32
      %lt3A_423 = arith.cmpi slt, %sub3A_421, %lt3A_422 : i32
      %convert_element_type3A_424 = arith.extui %lt3A_423 : i1 to i32
      %cond3A_425 = arith.constant 0 : i32
      %cond3A_426 = arith.cmpi ne, %convert_element_type3A_424, %cond3A_425 : i32
      scf.if %cond3A_426 {
        %ge3A = arith.constant 8 : i32
        %ge3A_505 = arith.cmpi sge, %sub3A_421, %ge3A : i32
        %convert_element_type3A_506 = arith.extui %ge3A_505 : i1 to i32
        %cond3A_507 = arith.constant 0 : i32
        %cond3A_508 = arith.cmpi ne, %convert_element_type3A_506, %cond3A_507 : i32
        scf.if %cond3A_508 {
          %dma_wait3A_520 = arith.constant 4 : i32
          %dma_wait3A_521 = arith.constant 0 : i32
          %dma_wait3A_522 = arith.constant 0 : i32
          %dma_wait3A_523 = tpu.memref_slice %arg6[%dma_wait3A_520, %dma_wait3A_521, %dma_wait3A_522] : memref<8x16x128xf32, #tpu.memory_space<vmem>> -> memref<1x16x128xf32, #tpu.memory_space<vmem>>
          %dma_wait3A_524 = tpu.memref_squeeze %dma_wait3A_523 : memref<1x16x128xf32, #tpu.memory_space<vmem>> -> memref<16x128xf32, #tpu.memory_space<vmem>>
          %dma_wait3A_525 = arith.constant 0 : i32
          %dma_wait3A_526 = tpu.memref_slice %arg4[%mul3A_2, %dma_wait3A_525] : memref<819200x128xf32, #tpu.memory_space<hbm>> -> memref<16x128xf32, #tpu.memory_space<hbm>>
          %dma_wait3A_527 = arith.constant 0 : i32
          %dma_wait3A_528 = tpu.memref_slice %arg4[%mul3A_2, %dma_wait3A_527] : memref<819200x128xf32, #tpu.memory_space<hbm>> -> memref<16x128xf32, #tpu.memory_space<hbm>>
          %dma_wait3A_529 = arith.constant 0 : i32
          %dma_wait3A_530 = arith.constant 0 : i32
          %dma_wait3A_531 = tpu.memref_slice %arg6[%dma_wait3A_520, %dma_wait3A_529, %dma_wait3A_530] : memref<8x16x128xf32, #tpu.memory_space<vmem>> -> memref<1x16x128xf32, #tpu.memory_space<vmem>>
          %dma_wait3A_532 = tpu.memref_squeeze %dma_wait3A_531 : memref<1x16x128xf32, #tpu.memory_space<vmem>> -> memref<16x128xf32, #tpu.memory_space<vmem>>
          tpu.wait_dma2 semaphore(%arg20 : memref<!tpu.dma_semaphore, #tpu.memory_space<semaphore_mem>>) src(%dma_wait3A_532 : memref<16x128xf32, #tpu.memory_space<vmem>>) dst(%dma_wait3A_528 : memref<16x128xf32, #tpu.memory_space<hbm>>)
        } else {
        }
        %mul3A_509 = arith.constant 16 : i32
        %mul3A_510 = arith.muli %sub3A_421, %mul3A_509 : i32
        %dma_start3A_511 = arith.constant 4 : i32
        %dma_start3A_512 = arith.constant 0 : i32
        %dma_start3A_513 = arith.constant 0 : i32
        %dma_start3A_514 = tpu.memref_slice %arg6[%dma_start3A_511, %dma_start3A_512, %dma_start3A_513] : memref<8x16x128xf32, #tpu.memory_space<vmem>> -> memref<1x16x128xf32, #tpu.memory_space<vmem>>
        %dma_start3A_515 = tpu.memref_squeeze %dma_start3A_514 : memref<1x16x128xf32, #tpu.memory_space<vmem>> -> memref<16x128xf32, #tpu.memory_space<vmem>>
        %dma_start3A_516 = tpu.memref_slice %arg5[%mul3A_510] : memref<25600xi32, #tpu.memory_space<vmem>> -> memref<16xi32, #tpu.memory_space<vmem>>
        %dma_start3A_517 = arith.constant 0 : i32
        %dma_start3A_518 = arith.constant 0 : i32
        %dma_start3A_519 = tpu.memref_slice %arg7[%dma_start3A_517, %dma_start3A_518] : memref<8192x128xf32, #tpu.memory_space<vmem_shared>> -> memref<8192x128xf32, #tpu.memory_space<vmem_shared>>
        tpu.enqueue_indirect_dma source(%dma_start3A_519 : memref<8192x128xf32, #tpu.memory_space<vmem_shared>>) target(%dma_start3A_515 : memref<16x128xf32, #tpu.memory_space<vmem>>) offsets(%dma_start3A_516 : memref<16xi32, #tpu.memory_space<vmem>>) semaphore(%arg12 : memref<!tpu.dma_semaphore, #tpu.memory_space<semaphore_mem>>)
      } else {
      }
      %mul3A_427 = arith.constant 8 : i32
      %mul3A_428 = arith.muli %scan3A_196, %mul3A_427 : i32
      %add3A_429 = arith.constant 6 : i32
      %add3A_430 = arith.addi %mul3A_428, %add3A_429 : i32
      %dma_wait3A_431 = arith.constant 6 : i32
      %dma_wait3A_432 = arith.constant 0 : i32
      %dma_wait3A_433 = arith.constant 0 : i32
      %dma_wait3A_434 = tpu.memref_slice %arg6[%dma_wait3A_431, %dma_wait3A_432, %dma_wait3A_433] : memref<8x16x128xf32, #tpu.memory_space<vmem>> -> memref<1x16x128xf32, #tpu.memory_space<vmem>>
      %dma_wait3A_435 = tpu.memref_squeeze %dma_wait3A_434 : memref<1x16x128xf32, #tpu.memory_space<vmem>> -> memref<16x128xf32, #tpu.memory_space<vmem>>
      %dma_wait3A_436 = arith.constant 0 : i32
      %dma_wait3A_437 = tpu.memref_slice %arg5[%dma_wait3A_436] : memref<25600xi32, #tpu.memory_space<vmem>> -> memref<16xi32, #tpu.memory_space<vmem>>
      %dma_wait3A_438 = arith.constant 0 : i32
      %dma_wait3A_439 = arith.constant 0 : i32
      %dma_wait3A_440 = tpu.memref_slice %arg7[%dma_wait3A_438, %dma_wait3A_439] : memref<8192x128xf32, #tpu.memory_space<vmem_shared>> -> memref<8192x128xf32, #tpu.memory_space<vmem_shared>>
      tpu.wait_indirect_dma semaphore(%arg14 : memref<!tpu.dma_semaphore, #tpu.memory_space<semaphore_mem>>) src(%dma_wait3A_440 : memref<8192x128xf32, #tpu.memory_space<vmem_shared>>) dst(%dma_wait3A_435 : memref<16x128xf32, #tpu.memory_space<vmem>>)
      %mul3A_441 = arith.constant 16 : i32
      %mul3A_442 = arith.muli %add3A_430, %mul3A_441 : i32
      %add3A_443 = arith.addi %mul3A_2, %mul3A_442 : i32
      %dma_start3A_444 = arith.constant 6 : i32
      %dma_start3A_445 = arith.constant 0 : i32
      %dma_start3A_446 = arith.constant 0 : i32
      %dma_start3A_447 = tpu.memref_slice %arg6[%dma_start3A_444, %dma_start3A_445, %dma_start3A_446] : memref<8x16x128xf32, #tpu.memory_space<vmem>> -> memref<1x16x128xf32, #tpu.memory_space<vmem>>
      %dma_start3A_448 = tpu.memref_squeeze %dma_start3A_447 : memref<1x16x128xf32, #tpu.memory_space<vmem>> -> memref<16x128xf32, #tpu.memory_space<vmem>>
      %dma_start3A_449 = arith.constant 0 : i32
      %dma_start3A_450 = tpu.memref_slice %arg4[%add3A_443, %dma_start3A_449] : memref<819200x128xf32, #tpu.memory_space<hbm>> -> memref<16x128xf32, #tpu.memory_space<hbm>>
      %dma_start3A_451 = arith.constant 0 : i32
      %dma_start3A_452 = tpu.memref_slice %arg4[%add3A_443, %dma_start3A_451] : memref<819200x128xf32, #tpu.memory_space<hbm>> -> memref<16x128xf32, #tpu.memory_space<hbm>>
      %dma_start3A_453 = arith.constant 0 : i32
      %dma_start3A_454 = arith.constant 0 : i32
      %dma_start3A_455 = tpu.memref_slice %arg6[%dma_start3A_444, %dma_start3A_453, %dma_start3A_454] : memref<8x16x128xf32, #tpu.memory_space<vmem>> -> memref<1x16x128xf32, #tpu.memory_space<vmem>>
      %dma_start3A_456 = tpu.memref_squeeze %dma_start3A_455 : memref<1x16x128xf32, #tpu.memory_space<vmem>> -> memref<16x128xf32, #tpu.memory_space<vmem>>
      tpu.enqueue_dma source(%dma_start3A_456 : memref<16x128xf32, #tpu.memory_space<vmem>>) target(%dma_start3A_452 : memref<16x128xf32, #tpu.memory_space<hbm>>) target_semaphore(%arg22 : memref<!tpu.dma_semaphore, #tpu.memory_space<semaphore_mem>>)
      %add3A_457 = arith.constant 8 : i32
      %add3A_458 = arith.addi %add3A_430, %add3A_457 : i32
      %sub3A_459 = arith.constant 1 : i32
      %sub3A_460 = arith.subi %add3A_458, %sub3A_459 : i32
      %lt3A_461 = arith.constant 1600 : i32
      %lt3A_462 = arith.cmpi slt, %sub3A_460, %lt3A_461 : i32
      %convert_element_type3A_463 = arith.extui %lt3A_462 : i1 to i32
      %cond3A_464 = arith.constant 0 : i32
      %cond3A_465 = arith.cmpi ne, %convert_element_type3A_463, %cond3A_464 : i32
      scf.if %cond3A_465 {
        %ge3A = arith.constant 8 : i32
        %ge3A_505 = arith.cmpi sge, %sub3A_460, %ge3A : i32
        %convert_element_type3A_506 = arith.extui %ge3A_505 : i1 to i32
        %cond3A_507 = arith.constant 0 : i32
        %cond3A_508 = arith.cmpi ne, %convert_element_type3A_506, %cond3A_507 : i32
        scf.if %cond3A_508 {
          %dma_wait3A_520 = arith.constant 5 : i32
          %dma_wait3A_521 = arith.constant 0 : i32
          %dma_wait3A_522 = arith.constant 0 : i32
          %dma_wait3A_523 = tpu.memref_slice %arg6[%dma_wait3A_520, %dma_wait3A_521, %dma_wait3A_522] : memref<8x16x128xf32, #tpu.memory_space<vmem>> -> memref<1x16x128xf32, #tpu.memory_space<vmem>>
          %dma_wait3A_524 = tpu.memref_squeeze %dma_wait3A_523 : memref<1x16x128xf32, #tpu.memory_space<vmem>> -> memref<16x128xf32, #tpu.memory_space<vmem>>
          %dma_wait3A_525 = arith.constant 0 : i32
          %dma_wait3A_526 = tpu.memref_slice %arg4[%mul3A_2, %dma_wait3A_525] : memref<819200x128xf32, #tpu.memory_space<hbm>> -> memref<16x128xf32, #tpu.memory_space<hbm>>
          %dma_wait3A_527 = arith.constant 0 : i32
          %dma_wait3A_528 = tpu.memref_slice %arg4[%mul3A_2, %dma_wait3A_527] : memref<819200x128xf32, #tpu.memory_space<hbm>> -> memref<16x128xf32, #tpu.memory_space<hbm>>
          %dma_wait3A_529 = arith.constant 0 : i32
          %dma_wait3A_530 = arith.constant 0 : i32
          %dma_wait3A_531 = tpu.memref_slice %arg6[%dma_wait3A_520, %dma_wait3A_529, %dma_wait3A_530] : memref<8x16x128xf32, #tpu.memory_space<vmem>> -> memref<1x16x128xf32, #tpu.memory_space<vmem>>
          %dma_wait3A_532 = tpu.memref_squeeze %dma_wait3A_531 : memref<1x16x128xf32, #tpu.memory_space<vmem>> -> memref<16x128xf32, #tpu.memory_space<vmem>>
          tpu.wait_dma2 semaphore(%arg21 : memref<!tpu.dma_semaphore, #tpu.memory_space<semaphore_mem>>) src(%dma_wait3A_532 : memref<16x128xf32, #tpu.memory_space<vmem>>) dst(%dma_wait3A_528 : memref<16x128xf32, #tpu.memory_space<hbm>>)
        } else {
        }
        %mul3A_509 = arith.constant 16 : i32
        %mul3A_510 = arith.muli %sub3A_460, %mul3A_509 : i32
        %dma_start3A_511 = arith.constant 5 : i32
        %dma_start3A_512 = arith.constant 0 : i32
        %dma_start3A_513 = arith.constant 0 : i32
        %dma_start3A_514 = tpu.memref_slice %arg6[%dma_start3A_511, %dma_start3A_512, %dma_start3A_513] : memref<8x16x128xf32, #tpu.memory_space<vmem>> -> memref<1x16x128xf32, #tpu.memory_space<vmem>>
        %dma_start3A_515 = tpu.memref_squeeze %dma_start3A_514 : memref<1x16x128xf32, #tpu.memory_space<vmem>> -> memref<16x128xf32, #tpu.memory_space<vmem>>
        %dma_start3A_516 = tpu.memref_slice %arg5[%mul3A_510] : memref<25600xi32, #tpu.memory_space<vmem>> -> memref<16xi32, #tpu.memory_space<vmem>>
        %dma_start3A_517 = arith.constant 0 : i32
        %dma_start3A_518 = arith.constant 0 : i32
        %dma_start3A_519 = tpu.memref_slice %arg7[%dma_start3A_517, %dma_start3A_518] : memref<8192x128xf32, #tpu.memory_space<vmem_shared>> -> memref<8192x128xf32, #tpu.memory_space<vmem_shared>>
        tpu.enqueue_indirect_dma source(%dma_start3A_519 : memref<8192x128xf32, #tpu.memory_space<vmem_shared>>) target(%dma_start3A_515 : memref<16x128xf32, #tpu.memory_space<vmem>>) offsets(%dma_start3A_516 : memref<16xi32, #tpu.memory_space<vmem>>) semaphore(%arg13 : memref<!tpu.dma_semaphore, #tpu.memory_space<semaphore_mem>>)
      } else {
      }
      %mul3A_466 = arith.constant 8 : i32
      %mul3A_467 = arith.muli %scan3A_196, %mul3A_466 : i32
      %add3A_468 = arith.constant 7 : i32
      %add3A_469 = arith.addi %mul3A_467, %add3A_468 : i32
      %dma_wait3A_470 = arith.constant 7 : i32
      %dma_wait3A_471 = arith.constant 0 : i32
      %dma_wait3A_472 = arith.constant 0 : i32
      %dma_wait3A_473 = tpu.memref_slice %arg6[%dma_wait3A_470, %dma_wait3A_471, %dma_wait3A_472] : memref<8x16x128xf32, #tpu.memory_space<vmem>> -> memref<1x16x128xf32, #tpu.memory_space<vmem>>
      %dma_wait3A_474 = tpu.memref_squeeze %dma_wait3A_473 : memref<1x16x128xf32, #tpu.memory_space<vmem>> -> memref<16x128xf32, #tpu.memory_space<vmem>>
      %dma_wait3A_475 = arith.constant 0 : i32
      %dma_wait3A_476 = tpu.memref_slice %arg5[%dma_wait3A_475] : memref<25600xi32, #tpu.memory_space<vmem>> -> memref<16xi32, #tpu.memory_space<vmem>>
      %dma_wait3A_477 = arith.constant 0 : i32
      %dma_wait3A_478 = arith.constant 0 : i32
      %dma_wait3A_479 = tpu.memref_slice %arg7[%dma_wait3A_477, %dma_wait3A_478] : memref<8192x128xf32, #tpu.memory_space<vmem_shared>> -> memref<8192x128xf32, #tpu.memory_space<vmem_shared>>
      tpu.wait_indirect_dma semaphore(%arg15 : memref<!tpu.dma_semaphore, #tpu.memory_space<semaphore_mem>>) src(%dma_wait3A_479 : memref<8192x128xf32, #tpu.memory_space<vmem_shared>>) dst(%dma_wait3A_474 : memref<16x128xf32, #tpu.memory_space<vmem>>)
      %mul3A_480 = arith.constant 16 : i32
      %mul3A_481 = arith.muli %add3A_469, %mul3A_480 : i32
      %add3A_482 = arith.addi %mul3A_2, %mul3A_481 : i32
      %dma_start3A_483 = arith.constant 7 : i32
      %dma_start3A_484 = arith.constant 0 : i32
      %dma_start3A_485 = arith.constant 0 : i32
      %dma_start3A_486 = tpu.memref_slice %arg6[%dma_start3A_483, %dma_start3A_484, %dma_start3A_485] : memref<8x16x128xf32, #tpu.memory_space<vmem>> -> memref<1x16x128xf32, #tpu.memory_space<vmem>>
      %dma_start3A_487 = tpu.memref_squeeze %dma_start3A_486 : memref<1x16x128xf32, #tpu.memory_space<vmem>> -> memref<16x128xf32, #tpu.memory_space<vmem>>
      %dma_start3A_488 = arith.constant 0 : i32
      %dma_start3A_489 = tpu.memref_slice %arg4[%add3A_482, %dma_start3A_488] : memref<819200x128xf32, #tpu.memory_space<hbm>> -> memref<16x128xf32, #tpu.memory_space<hbm>>
      %dma_start3A_490 = arith.constant 0 : i32
      %dma_start3A_491 = tpu.memref_slice %arg4[%add3A_482, %dma_start3A_490] : memref<819200x128xf32, #tpu.memory_space<hbm>> -> memref<16x128xf32, #tpu.memory_space<hbm>>
      %dma_start3A_492 = arith.constant 0 : i32
      %dma_start3A_493 = arith.constant 0 : i32
      %dma_start3A_494 = tpu.memref_slice %arg6[%dma_start3A_483, %dma_start3A_492, %dma_start3A_493] : memref<8x16x128xf32, #tpu.memory_space<vmem>> -> memref<1x16x128xf32, #tpu.memory_space<vmem>>
      %dma_start3A_495 = tpu.memref_squeeze %dma_start3A_494 : memref<1x16x128xf32, #tpu.memory_space<vmem>> -> memref<16x128xf32, #tpu.memory_space<vmem>>
      tpu.enqueue_dma source(%dma_start3A_495 : memref<16x128xf32, #tpu.memory_space<vmem>>) target(%dma_start3A_491 : memref<16x128xf32, #tpu.memory_space<hbm>>) target_semaphore(%arg23 : memref<!tpu.dma_semaphore, #tpu.memory_space<semaphore_mem>>)
      %add3A_496 = arith.constant 8 : i32
      %add3A_497 = arith.addi %add3A_469, %add3A_496 : i32
      %sub3A_498 = arith.constant 1 : i32
      %sub3A_499 = arith.subi %add3A_497, %sub3A_498 : i32
      %lt3A_500 = arith.constant 1600 : i32
      %lt3A_501 = arith.cmpi slt, %sub3A_499, %lt3A_500 : i32
      %convert_element_type3A_502 = arith.extui %lt3A_501 : i1 to i32
      %cond3A_503 = arith.constant 0 : i32
      %cond3A_504 = arith.cmpi ne, %convert_element_type3A_502, %cond3A_503 : i32
      scf.if %cond3A_504 {
        %ge3A = arith.constant 8 : i32
        %ge3A_505 = arith.cmpi sge, %sub3A_499, %ge3A : i32
        %convert_element_type3A_506 = arith.extui %ge3A_505 : i1 to i32
        %cond3A_507 = arith.constant 0 : i32
        %cond3A_508 = arith.cmpi ne, %convert_element_type3A_506, %cond3A_507 : i32
        scf.if %cond3A_508 {
          %dma_wait3A_520 = arith.constant 6 : i32
          %dma_wait3A_521 = arith.constant 0 : i32
          %dma_wait3A_522 = arith.constant 0 : i32
          %dma_wait3A_523 = tpu.memref_slice %arg6[%dma_wait3A_520, %dma_wait3A_521, %dma_wait3A_522] : memref<8x16x128xf32, #tpu.memory_space<vmem>> -> memref<1x16x128xf32, #tpu.memory_space<vmem>>
          %dma_wait3A_524 = tpu.memref_squeeze %dma_wait3A_523 : memref<1x16x128xf32, #tpu.memory_space<vmem>> -> memref<16x128xf32, #tpu.memory_space<vmem>>
          %dma_wait3A_525 = arith.constant 0 : i32
          %dma_wait3A_526 = tpu.memref_slice %arg4[%mul3A_2, %dma_wait3A_525] : memref<819200x128xf32, #tpu.memory_space<hbm>> -> memref<16x128xf32, #tpu.memory_space<hbm>>
          %dma_wait3A_527 = arith.constant 0 : i32
          %dma_wait3A_528 = tpu.memref_slice %arg4[%mul3A_2, %dma_wait3A_527] : memref<819200x128xf32, #tpu.memory_space<hbm>> -> memref<16x128xf32, #tpu.memory_space<hbm>>
          %dma_wait3A_529 = arith.constant 0 : i32
          %dma_wait3A_530 = arith.constant 0 : i32
          %dma_wait3A_531 = tpu.memref_slice %arg6[%dma_wait3A_520, %dma_wait3A_529, %dma_wait3A_530] : memref<8x16x128xf32, #tpu.memory_space<vmem>> -> memref<1x16x128xf32, #tpu.memory_space<vmem>>
          %dma_wait3A_532 = tpu.memref_squeeze %dma_wait3A_531 : memref<1x16x128xf32, #tpu.memory_space<vmem>> -> memref<16x128xf32, #tpu.memory_space<vmem>>
          tpu.wait_dma2 semaphore(%arg22 : memref<!tpu.dma_semaphore, #tpu.memory_space<semaphore_mem>>) src(%dma_wait3A_532 : memref<16x128xf32, #tpu.memory_space<vmem>>) dst(%dma_wait3A_528 : memref<16x128xf32, #tpu.memory_space<hbm>>)
        } else {
        }
        %mul3A_509 = arith.constant 16 : i32
        %mul3A_510 = arith.muli %sub3A_499, %mul3A_509 : i32
        %dma_start3A_511 = arith.constant 6 : i32
        %dma_start3A_512 = arith.constant 0 : i32
        %dma_start3A_513 = arith.constant 0 : i32
        %dma_start3A_514 = tpu.memref_slice %arg6[%dma_start3A_511, %dma_start3A_512, %dma_start3A_513] : memref<8x16x128xf32, #tpu.memory_space<vmem>> -> memref<1x16x128xf32, #tpu.memory_space<vmem>>
        %dma_start3A_515 = tpu.memref_squeeze %dma_start3A_514 : memref<1x16x128xf32, #tpu.memory_space<vmem>> -> memref<16x128xf32, #tpu.memory_space<vmem>>
        %dma_start3A_516 = tpu.memref_slice %arg5[%mul3A_510] : memref<25600xi32, #tpu.memory_space<vmem>> -> memref<16xi32, #tpu.memory_space<vmem>>
        %dma_start3A_517 = arith.constant 0 : i32
        %dma_start3A_518 = arith.constant 0 : i32
        %dma_start3A_519 = tpu.memref_slice %arg7[%dma_start3A_517, %dma_start3A_518] : memref<8192x128xf32, #tpu.memory_space<vmem_shared>> -> memref<8192x128xf32, #tpu.memory_space<vmem_shared>>
        tpu.enqueue_indirect_dma source(%dma_start3A_519 : memref<8192x128xf32, #tpu.memory_space<vmem_shared>>) target(%dma_start3A_515 : memref<16x128xf32, #tpu.memory_space<vmem>>) offsets(%dma_start3A_516 : memref<16xi32, #tpu.memory_space<vmem>>) semaphore(%arg14 : memref<!tpu.dma_semaphore, #tpu.memory_space<semaphore_mem>>)
      } else {
      }
    }
    %scan3A_91 = arith.constant 200 : i32
    %dma_wait3A_92 = arith.constant 0 : i32
    %dma_wait3A_93 = arith.constant 0 : i32
    %dma_wait3A_94 = arith.constant 0 : i32
    %dma_wait3A_95 = tpu.memref_slice %arg6[%dma_wait3A_92, %dma_wait3A_93, %dma_wait3A_94] : memref<8x16x128xf32, #tpu.memory_space<vmem>> -> memref<1x16x128xf32, #tpu.memory_space<vmem>>
    %dma_wait3A_96 = tpu.memref_squeeze %dma_wait3A_95 : memref<1x16x128xf32, #tpu.memory_space<vmem>> -> memref<16x128xf32, #tpu.memory_space<vmem>>
    %dma_wait3A_97 = arith.constant 0 : i32
    %dma_wait3A_98 = tpu.memref_slice %arg4[%mul3A_2, %dma_wait3A_97] : memref<819200x128xf32, #tpu.memory_space<hbm>> -> memref<16x128xf32, #tpu.memory_space<hbm>>
    %dma_wait3A_99 = arith.constant 0 : i32
    %dma_wait3A_100 = tpu.memref_slice %arg4[%mul3A_2, %dma_wait3A_99] : memref<819200x128xf32, #tpu.memory_space<hbm>> -> memref<16x128xf32, #tpu.memory_space<hbm>>
    %dma_wait3A_101 = arith.constant 0 : i32
    %dma_wait3A_102 = arith.constant 0 : i32
    %dma_wait3A_103 = tpu.memref_slice %arg6[%dma_wait3A_92, %dma_wait3A_101, %dma_wait3A_102] : memref<8x16x128xf32, #tpu.memory_space<vmem>> -> memref<1x16x128xf32, #tpu.memory_space<vmem>>
    %dma_wait3A_104 = tpu.memref_squeeze %dma_wait3A_103 : memref<1x16x128xf32, #tpu.memory_space<vmem>> -> memref<16x128xf32, #tpu.memory_space<vmem>>
    tpu.wait_dma2 semaphore(%arg16 : memref<!tpu.dma_semaphore, #tpu.memory_space<semaphore_mem>>) src(%dma_wait3A_104 : memref<16x128xf32, #tpu.memory_space<vmem>>) dst(%dma_wait3A_100 : memref<16x128xf32, #tpu.memory_space<hbm>>)
    %dma_wait3A_105 = arith.constant 1 : i32
    %dma_wait3A_106 = arith.constant 0 : i32
    %dma_wait3A_107 = arith.constant 0 : i32
    %dma_wait3A_108 = tpu.memref_slice %arg6[%dma_wait3A_105, %dma_wait3A_106, %dma_wait3A_107] : memref<8x16x128xf32, #tpu.memory_space<vmem>> -> memref<1x16x128xf32, #tpu.memory_space<vmem>>
    %dma_wait3A_109 = tpu.memref_squeeze %dma_wait3A_108 : memref<1x16x128xf32, #tpu.memory_space<vmem>> -> memref<16x128xf32, #tpu.memory_space<vmem>>
    %dma_wait3A_110 = arith.constant 0 : i32
    %dma_wait3A_111 = tpu.memref_slice %arg4[%mul3A_2, %dma_wait3A_110] : memref<819200x128xf32, #tpu.memory_space<hbm>> -> memref<16x128xf32, #tpu.memory_space<hbm>>
    %dma_wait3A_112 = arith.constant 0 : i32
    %dma_wait3A_113 = tpu.memref_slice %arg4[%mul3A_2, %dma_wait3A_112] : memref<819200x128xf32, #tpu.memory_space<hbm>> -> memref<16x128xf32, #tpu.memory_space<hbm>>
    %dma_wait3A_114 = arith.constant 0 : i32
    %dma_wait3A_115 = arith.constant 0 : i32
    %dma_wait3A_116 = tpu.memref_slice %arg6[%dma_wait3A_105, %dma_wait3A_114, %dma_wait3A_115] : memref<8x16x128xf32, #tpu.memory_space<vmem>> -> memref<1x16x128xf32, #tpu.memory_space<vmem>>
    %dma_wait3A_117 = tpu.memref_squeeze %dma_wait3A_116 : memref<1x16x128xf32, #tpu.memory_space<vmem>> -> memref<16x128xf32, #tpu.memory_space<vmem>>
    tpu.wait_dma2 semaphore(%arg17 : memref<!tpu.dma_semaphore, #tpu.memory_space<semaphore_mem>>) src(%dma_wait3A_117 : memref<16x128xf32, #tpu.memory_space<vmem>>) dst(%dma_wait3A_113 : memref<16x128xf32, #tpu.memory_space<hbm>>)
    %dma_wait3A_118 = arith.constant 2 : i32
    %dma_wait3A_119 = arith.constant 0 : i32
    %dma_wait3A_120 = arith.constant 0 : i32
    %dma_wait3A_121 = tpu.memref_slice %arg6[%dma_wait3A_118, %dma_wait3A_119, %dma_wait3A_120] : memref<8x16x128xf32, #tpu.memory_space<vmem>> -> memref<1x16x128xf32, #tpu.memory_space<vmem>>
    %dma_wait3A_122 = tpu.memref_squeeze %dma_wait3A_121 : memref<1x16x128xf32, #tpu.memory_space<vmem>> -> memref<16x128xf32, #tpu.memory_space<vmem>>
    %dma_wait3A_123 = arith.constant 0 : i32
    %dma_wait3A_124 = tpu.memref_slice %arg4[%mul3A_2, %dma_wait3A_123] : memref<819200x128xf32, #tpu.memory_space<hbm>> -> memref<16x128xf32, #tpu.memory_space<hbm>>
    %dma_wait3A_125 = arith.constant 0 : i32
    %dma_wait3A_126 = tpu.memref_slice %arg4[%mul3A_2, %dma_wait3A_125] : memref<819200x128xf32, #tpu.memory_space<hbm>> -> memref<16x128xf32, #tpu.memory_space<hbm>>
    %dma_wait3A_127 = arith.constant 0 : i32
    %dma_wait3A_128 = arith.constant 0 : i32
    %dma_wait3A_129 = tpu.memref_slice %arg6[%dma_wait3A_118, %dma_wait3A_127, %dma_wait3A_128] : memref<8x16x128xf32, #tpu.memory_space<vmem>> -> memref<1x16x128xf32, #tpu.memory_space<vmem>>
    %dma_wait3A_130 = tpu.memref_squeeze %dma_wait3A_129 : memref<1x16x128xf32, #tpu.memory_space<vmem>> -> memref<16x128xf32, #tpu.memory_space<vmem>>
    tpu.wait_dma2 semaphore(%arg18 : memref<!tpu.dma_semaphore, #tpu.memory_space<semaphore_mem>>) src(%dma_wait3A_130 : memref<16x128xf32, #tpu.memory_space<vmem>>) dst(%dma_wait3A_126 : memref<16x128xf32, #tpu.memory_space<hbm>>)
    %dma_wait3A_131 = arith.constant 3 : i32
    %dma_wait3A_132 = arith.constant 0 : i32
    %dma_wait3A_133 = arith.constant 0 : i32
    %dma_wait3A_134 = tpu.memref_slice %arg6[%dma_wait3A_131, %dma_wait3A_132, %dma_wait3A_133] : memref<8x16x128xf32, #tpu.memory_space<vmem>> -> memref<1x16x128xf32, #tpu.memory_space<vmem>>
    %dma_wait3A_135 = tpu.memref_squeeze %dma_wait3A_134 : memref<1x16x128xf32, #tpu.memory_space<vmem>> -> memref<16x128xf32, #tpu.memory_space<vmem>>
    %dma_wait3A_136 = arith.constant 0 : i32
    %dma_wait3A_137 = tpu.memref_slice %arg4[%mul3A_2, %dma_wait3A_136] : memref<819200x128xf32, #tpu.memory_space<hbm>> -> memref<16x128xf32, #tpu.memory_space<hbm>>
    %dma_wait3A_138 = arith.constant 0 : i32
    %dma_wait3A_139 = tpu.memref_slice %arg4[%mul3A_2, %dma_wait3A_138] : memref<819200x128xf32, #tpu.memory_space<hbm>> -> memref<16x128xf32, #tpu.memory_space<hbm>>
    %dma_wait3A_140 = arith.constant 0 : i32
    %dma_wait3A_141 = arith.constant 0 : i32
    %dma_wait3A_142 = tpu.memref_slice %arg6[%dma_wait3A_131, %dma_wait3A_140, %dma_wait3A_141] : memref<8x16x128xf32, #tpu.memory_space<vmem>> -> memref<1x16x128xf32, #tpu.memory_space<vmem>>
    %dma_wait3A_143 = tpu.memref_squeeze %dma_wait3A_142 : memref<1x16x128xf32, #tpu.memory_space<vmem>> -> memref<16x128xf32, #tpu.memory_space<vmem>>
    tpu.wait_dma2 semaphore(%arg19 : memref<!tpu.dma_semaphore, #tpu.memory_space<semaphore_mem>>) src(%dma_wait3A_143 : memref<16x128xf32, #tpu.memory_space<vmem>>) dst(%dma_wait3A_139 : memref<16x128xf32, #tpu.memory_space<hbm>>)
    %dma_wait3A_144 = arith.constant 4 : i32
    %dma_wait3A_145 = arith.constant 0 : i32
    %dma_wait3A_146 = arith.constant 0 : i32
    %dma_wait3A_147 = tpu.memref_slice %arg6[%dma_wait3A_144, %dma_wait3A_145, %dma_wait3A_146] : memref<8x16x128xf32, #tpu.memory_space<vmem>> -> memref<1x16x128xf32, #tpu.memory_space<vmem>>
    %dma_wait3A_148 = tpu.memref_squeeze %dma_wait3A_147 : memref<1x16x128xf32, #tpu.memory_space<vmem>> -> memref<16x128xf32, #tpu.memory_space<vmem>>
    %dma_wait3A_149 = arith.constant 0 : i32
    %dma_wait3A_150 = tpu.memref_slice %arg4[%mul3A_2, %dma_wait3A_149] : memref<819200x128xf32, #tpu.memory_space<hbm>> -> memref<16x128xf32, #tpu.memory_space<hbm>>
    %dma_wait3A_151 = arith.constant 0 : i32
    %dma_wait3A_152 = tpu.memref_slice %arg4[%mul3A_2, %dma_wait3A_151] : memref<819200x128xf32, #tpu.memory_space<hbm>> -> memref<16x128xf32, #tpu.memory_space<hbm>>
    %dma_wait3A_153 = arith.constant 0 : i32
    %dma_wait3A_154 = arith.constant 0 : i32
    %dma_wait3A_155 = tpu.memref_slice %arg6[%dma_wait3A_144, %dma_wait3A_153, %dma_wait3A_154] : memref<8x16x128xf32, #tpu.memory_space<vmem>> -> memref<1x16x128xf32, #tpu.memory_space<vmem>>
    %dma_wait3A_156 = tpu.memref_squeeze %dma_wait3A_155 : memref<1x16x128xf32, #tpu.memory_space<vmem>> -> memref<16x128xf32, #tpu.memory_space<vmem>>
    tpu.wait_dma2 semaphore(%arg20 : memref<!tpu.dma_semaphore, #tpu.memory_space<semaphore_mem>>) src(%dma_wait3A_156 : memref<16x128xf32, #tpu.memory_space<vmem>>) dst(%dma_wait3A_152 : memref<16x128xf32, #tpu.memory_space<hbm>>)
    %dma_wait3A_157 = arith.constant 5 : i32
    %dma_wait3A_158 = arith.constant 0 : i32
    %dma_wait3A_159 = arith.constant 0 : i32
    %dma_wait3A_160 = tpu.memref_slice %arg6[%dma_wait3A_157, %dma_wait3A_158, %dma_wait3A_159] : memref<8x16x128xf32, #tpu.memory_space<vmem>> -> memref<1x16x128xf32, #tpu.memory_space<vmem>>
    %dma_wait3A_161 = tpu.memref_squeeze %dma_wait3A_160 : memref<1x16x128xf32, #tpu.memory_space<vmem>> -> memref<16x128xf32, #tpu.memory_space<vmem>>
    %dma_wait3A_162 = arith.constant 0 : i32
    %dma_wait3A_163 = tpu.memref_slice %arg4[%mul3A_2, %dma_wait3A_162] : memref<819200x128xf32, #tpu.memory_space<hbm>> -> memref<16x128xf32, #tpu.memory_space<hbm>>
    %dma_wait3A_164 = arith.constant 0 : i32
    %dma_wait3A_165 = tpu.memref_slice %arg4[%mul3A_2, %dma_wait3A_164] : memref<819200x128xf32, #tpu.memory_space<hbm>> -> memref<16x128xf32, #tpu.memory_space<hbm>>
    %dma_wait3A_166 = arith.constant 0 : i32
    %dma_wait3A_167 = arith.constant 0 : i32
    %dma_wait3A_168 = tpu.memref_slice %arg6[%dma_wait3A_157, %dma_wait3A_166, %dma_wait3A_167] : memref<8x16x128xf32, #tpu.memory_space<vmem>> -> memref<1x16x128xf32, #tpu.memory_space<vmem>>
    %dma_wait3A_169 = tpu.memref_squeeze %dma_wait3A_168 : memref<1x16x128xf32, #tpu.memory_space<vmem>> -> memref<16x128xf32, #tpu.memory_space<vmem>>
    tpu.wait_dma2 semaphore(%arg21 : memref<!tpu.dma_semaphore, #tpu.memory_space<semaphore_mem>>) src(%dma_wait3A_169 : memref<16x128xf32, #tpu.memory_space<vmem>>) dst(%dma_wait3A_165 : memref<16x128xf32, #tpu.memory_space<hbm>>)
    %dma_wait3A_170 = arith.constant 6 : i32
    %dma_wait3A_171 = arith.constant 0 : i32
    %dma_wait3A_172 = arith.constant 0 : i32
    %dma_wait3A_173 = tpu.memref_slice %arg6[%dma_wait3A_170, %dma_wait3A_171, %dma_wait3A_172] : memref<8x16x128xf32, #tpu.memory_space<vmem>> -> memref<1x16x128xf32, #tpu.memory_space<vmem>>
    %dma_wait3A_174 = tpu.memref_squeeze %dma_wait3A_173 : memref<1x16x128xf32, #tpu.memory_space<vmem>> -> memref<16x128xf32, #tpu.memory_space<vmem>>
    %dma_wait3A_175 = arith.constant 0 : i32
    %dma_wait3A_176 = tpu.memref_slice %arg4[%mul3A_2, %dma_wait3A_175] : memref<819200x128xf32, #tpu.memory_space<hbm>> -> memref<16x128xf32, #tpu.memory_space<hbm>>
    %dma_wait3A_177 = arith.constant 0 : i32
    %dma_wait3A_178 = tpu.memref_slice %arg4[%mul3A_2, %dma_wait3A_177] : memref<819200x128xf32, #tpu.memory_space<hbm>> -> memref<16x128xf32, #tpu.memory_space<hbm>>
    %dma_wait3A_179 = arith.constant 0 : i32
    %dma_wait3A_180 = arith.constant 0 : i32
    %dma_wait3A_181 = tpu.memref_slice %arg6[%dma_wait3A_170, %dma_wait3A_179, %dma_wait3A_180] : memref<8x16x128xf32, #tpu.memory_space<vmem>> -> memref<1x16x128xf32, #tpu.memory_space<vmem>>
    %dma_wait3A_182 = tpu.memref_squeeze %dma_wait3A_181 : memref<1x16x128xf32, #tpu.memory_space<vmem>> -> memref<16x128xf32, #tpu.memory_space<vmem>>
    tpu.wait_dma2 semaphore(%arg22 : memref<!tpu.dma_semaphore, #tpu.memory_space<semaphore_mem>>) src(%dma_wait3A_182 : memref<16x128xf32, #tpu.memory_space<vmem>>) dst(%dma_wait3A_178 : memref<16x128xf32, #tpu.memory_space<hbm>>)
    %dma_wait3A_183 = arith.constant 7 : i32
    %dma_wait3A_184 = arith.constant 0 : i32
    %dma_wait3A_185 = arith.constant 0 : i32
    %dma_wait3A_186 = tpu.memref_slice %arg6[%dma_wait3A_183, %dma_wait3A_184, %dma_wait3A_185] : memref<8x16x128xf32, #tpu.memory_space<vmem>> -> memref<1x16x128xf32, #tpu.memory_space<vmem>>
    %dma_wait3A_187 = tpu.memref_squeeze %dma_wait3A_186 : memref<1x16x128xf32, #tpu.memory_space<vmem>> -> memref<16x128xf32, #tpu.memory_space<vmem>>
    %dma_wait3A_188 = arith.constant 0 : i32
    %dma_wait3A_189 = tpu.memref_slice %arg4[%mul3A_2, %dma_wait3A_188] : memref<819200x128xf32, #tpu.memory_space<hbm>> -> memref<16x128xf32, #tpu.memory_space<hbm>>
    %dma_wait3A_190 = arith.constant 0 : i32
    %dma_wait3A_191 = tpu.memref_slice %arg4[%mul3A_2, %dma_wait3A_190] : memref<819200x128xf32, #tpu.memory_space<hbm>> -> memref<16x128xf32, #tpu.memory_space<hbm>>
    %dma_wait3A_192 = arith.constant 0 : i32
    %dma_wait3A_193 = arith.constant 0 : i32
    %dma_wait3A_194 = tpu.memref_slice %arg6[%dma_wait3A_183, %dma_wait3A_192, %dma_wait3A_193] : memref<8x16x128xf32, #tpu.memory_space<vmem>> -> memref<1x16x128xf32, #tpu.memory_space<vmem>>
    %dma_wait3A_195 = tpu.memref_squeeze %dma_wait3A_194 : memref<1x16x128xf32, #tpu.memory_space<vmem>> -> memref<16x128xf32, #tpu.memory_space<vmem>>
    tpu.wait_dma2 semaphore(%arg23 : memref<!tpu.dma_semaphore, #tpu.memory_space<semaphore_mem>>) src(%dma_wait3A_195 : memref<16x128xf32, #tpu.memory_space<vmem>>) dst(%dma_wait3A_191 : memref<16x128xf32, #tpu.memory_space<hbm>>)
    return
  }
}

</mosaic_0001>

<sc_bundles>
// kernel: kernel.3.cloned.1.call-start
scs
__scs_entry_jumppad:
0x0: {  	(pc) =	sbr.rel $0x88, $3  }
0x1: {  	(tag) =	ssettag $0x0;
	lr =	simm.s32 $0x1  }
0x2: {  	[smem:$0x3F9F] =	sst lr;
	_ =	strace $0xD0000000  }
0x3: {  	_ = 	snop  }
0x4: {  	_ = 	snop  }
0x5: {  	_ = 	snop  }
0x6: {  	_ = 	snop  }
0x7: {  	_ = 	snop  }
__scs_overlays_trampoline_lowered:
0x8: {  	[smem:$0x3FAE] =	sst s0  }
0x9: {  	[smem:$0x3FAF] =	sst s1  }
0xa: {  	[smem:$0x3FB0] =	sst s2  }
0xb: {  	[smem:$0x3FB1] =	sst s3  }
0xc: {  	[smem:$0x3FB2] =	sst s4  }
0xd: {  	[smem:$0x3FB3] =	sst s5  }
0xe: {  	[smem:$0x3FB4] =	sst s6  }
0xf: {  	[smem:$0x3FB5] =	sst s7  }
0x10: {  	[smem:$0x3FB6] =	sst s8  }
0x11: {  	[smem:$0x3FB7] =	sst s9;
	s0 =	simm.s32 @!p0 $0x0  }
0x12: {  	s1 =	sld [smem:$0x3F9D];
	s0 =	simm.s32 @p0 $0x1  }
0x13: {  	[smem:$0x3FB8] =	sst s0;
	s0 =	simm.s32 @!p1 $0x0  }
0x14: {  	s2 =	sld [smem:$0x3F9C];
	s0 =	simm.s32 @p1 $0x1  }
0x15: {  	[smem:$0x3FB9] =	sst s0;
	s0 =	simm.s32 @!p2 $0x0  }
0x16: {  	s3 =	sld [smem:$0x3FDB];
	s0 =	simm.s32 @p2 $0x1  }
0x17: {  	s4 =	simm.s32 $0x1BF5;
	[smem:$0x3FBB] =	sst s0  }
0x18: {  	s0 =	sld [smem:$0x3F9E];
	_ =	swait.ge [sflag:s4], $0x0  }
0x19: {  	s7 =	sld [smem:$0x3F9F]  }
0x1a: {  	s8 =	sadd.s32 $0xFFFFE003, lr  }
0x1b: {  	s9 =	sadd.s32 $0xFFFFFEF7, lr;
	s5 =	simm.s32 $0xFFFFFFFF;
	p2 =	slt.u32 s8, $0xFFFFF086  }
0x1c: {  	p1 =	slt.u32 s9, $0xF7A;
	s5 =	simm.s32 @!p2 $0x0  }
0x1d: {  	s5 =	simm.s32 @p1 $0x1;
	p0 =	seq.s32 s7, s2  }
0x1e: {  	s7 =	smul.u32 @!p0 $0xF7A, s2;
	p2 =	seq.s32 @!p0 s5, $0x0  }
0x1f: {  	s9 =	smul.u32 $0xF7A, s1;
	s8 =	simm.s32 @!p0 $0x1BF5;
	p2 =	por !p2, p0  }
0x20: {  	[sflag:s8] =	ssyncset.s32 @!p0 $0xFFFFF086;
	s6 =	sadd.s32 @!p0 s3, s7;
	s7 =	simm.s32 @!p0 $0x108  }
0x21: {  	s3 =	sadd.s32 s3, s9;
	s6 =	sadd.s32 @!p0 $0x88, s6;
	s7 =	simm.s32 @p2 $0x1082  }
0x22: {  	[simem:s7], [sflag:s8] =	dma.local @!p0 [hbm:s6], $0xF7A  }
0x23: {  	s9 =	sor.u32 $0xD0000000, s2;
	s6 =	simm.s32 $0x108;
	_ =	swait.ge @!p0 [sflag:s8], $0x0  }
0x24: {  	s3 =	sadd.s32 $0x88, s3;
	s6 =	simm.s32 @!p1 $0x1082;
	[sflag:s4] =	ssyncset.s32 $0xFFFFF086  }
0x25: {  	[simem:s6], [sflag:s4] =	dma.local [hbm:s3], $0xF7A  }
0x26: {  	[smem:$0x3F9F] =	sst s1;
	(tag) =	ssettag s2;
	_ =	strace s9  }
0x27: {  	s1 =	sld [smem:$0x3FAF]  }
0x28: {  	s2 =	sld [smem:$0x3FB0]  }
0x29: {  	s4 =	sld [smem:$0x3FB2]  }
0x2a: {  	p0 =	seq.s32 s5, $0x0;
	s5 =	sld [smem:$0x3FB3]  }
0x2b: {  	s6 =	sld [smem:$0x3FB4]  }
0x2c: {  	s7 =	sld [smem:$0x3FB5]  }
0x2d: {  	s3 =	simm.s32 $0x108;
	s8 =	sld [smem:$0x3FB6]  }
0x2e: {  	s3 =	simm.s32 @!p0 $0x1082;
	s9 =	sld [smem:$0x3FB7]  }
0x2f: {  	lr =	sadd.s32 s0, s3;
	s0 =	sld [smem:$0x3FAE]  }
0x30: {  	s3 =	sld [smem:$0x3FB1]  }
0x31: {  	[smem:$0x3FBA] =	sst s10  }
0x32: {  	s10 =	sld [smem:$0x3FB8];
	_ =	sdelay $0x3  }
0x33: {  	p0 =	seq.s32 s10, $0x1;
	s10 =	sld [smem:$0x3FBA];
	_ =	sdelay $0x3  }
0x34: {  	[smem:$0x3FBA] =	sst s10  }
0x35: {  	s10 =	sld [smem:$0x3FB9];
	_ =	sdelay $0x3  }
0x36: {  	p1 =	seq.s32 s10, $0x1;
	s10 =	sld [smem:$0x3FBA];
	_ =	sdelay $0x3  }
0x37: {  	[smem:$0x3FBA] =	sst s10  }
0x38: {  	s10 =	sld [smem:$0x3FBB]  }
0x39: {  	_ = 	snop;
	(pc) =	sbr.ind lr, $3  }
0x3a: {  	_ = 	snop  }
0x3b: {  	_ = 	snop  }
0x3c: {  	p2 =	seq.s32 s10, $0x1;
	s10 =	sld [smem:$0x3FBA]  }
0x3d: {  	_ =	shalt  }
0x3e: {  	_ =	shalt  }
0x3f: {  	_ =	shalt  }
0x40: {  	_ =	shalt  }
0x41: {  	_ =	shalt  }
0x42: {  	_ =	shalt  }
0x43: {  	_ =	shalt  }
0x44: {  	_ =	shalt  }
0x45: {  	_ =	shalt  }
0x46: {  	_ =	shalt  }
0x47: {  	_ =	shalt  }
0x48: {  	_ =	shalt  }
0x49: {  	_ =	shalt  }
0x4a: {  	_ =	shalt  }
0x4b: {  	_ =	shalt  }
0x4c: {  	_ =	shalt  }
0x4d: {  	_ =	shalt  }
0x4e: {  	_ =	shalt  }
0x4f: {  	_ =	shalt  }
0x50: {  	_ =	shalt  }
0x51: {  	_ =	shalt  }
0x52: {  	_ =	shalt  }
0x53: {  	_ =	shalt  }
0x54: {  	_ =	shalt  }
0x55: {  	_ =	shalt  }
0x56: {  	_ =	shalt  }
0x57: {  	_ =	shalt  }
0x58: {  	_ =	shalt  }
0x59: {  	_ =	shalt  }
0x5a: {  	_ =	shalt  }
0x5b: {  	_ =	shalt  }
0x5c: {  	_ =	shalt  }
0x5d: {  	_ =	shalt  }
0x5e: {  	_ =	shalt  }
0x5f: {  	_ =	shalt  }
0x60: {  	_ =	shalt  }
0x61: {  	_ =	shalt  }
0x62: {  	_ =	shalt  }
0x63: {  	_ =	shalt  }
0x64: {  	_ =	shalt  }
0x65: {  	_ =	shalt  }
0x66: {  	_ =	shalt  }
0x67: {  	_ =	shalt  }
0x68: {  	_ =	shalt  }
0x69: {  	_ =	shalt  }
0x6a: {  	_ =	shalt  }
0x6b: {  	_ =	shalt  }
0x6c: {  	_ =	shalt  }
0x6d: {  	_ =	shalt  }
0x6e: {  	_ =	shalt  }
0x6f: {  	_ =	shalt  }
0x70: {  	_ =	shalt  }
0x71: {  	_ =	shalt  }
0x72: {  	_ =	shalt  }
0x73: {  	_ =	shalt  }
0x74: {  	_ =	shalt  }
0x75: {  	_ =	shalt  }
0x76: {  	_ =	shalt  }
0x77: {  	_ =	shalt  }
0x78: {  	_ =	shalt  }
0x79: {  	_ =	shalt  }
0x7a: {  	_ =	shalt  }
0x7b: {  	_ =	shalt  }
0x7c: {  	_ =	shalt  }
0x7d: {  	_ =	shalt  }
0x7e: {  	_ =	shalt  }
0x7f: {  	_ =	shalt  }
0x80: {  	_ =	shalt  }
0x81: {  	_ =	shalt  }
0x82: {  	_ =	shalt  }
0x83: {  	_ =	shalt  }
0x84: {  	_ =	shalt  }
0x85: {  	_ =	shalt  }
0x86: {  	_ =	shalt  }
0x87: {  	_ =	shalt  }
.Lfunc_end0:
.L_simem_size_0:
called_computation_lowered:
.L_overlay_start_0:
0x88: {  	s2 =	sld [smem:$0x3FD9]  }
0x89: {  	s3 =	sld [smem:$0x3FFE];
	_ =	sdelay $0x1  }
0x8a: {  	s1 =	srdreg.scid  }
0x8b: {  	s0 =	sand.u32 $0x1, s1  }
0x8c: {  	s17 =	sshll.u32 s0, $0xA;
	s2 =	sadd.s32 s3, s2  }
0x8d: {  	s2 =	sadd.s32 s2, s17  }
0x8e: {  	[smem:$0x3FC6] =	sst s2  }
0x8f: {  	_ = 	snop  }
0x90: {  	s2 =	sld [smem:$0x3FC8]  }
0x91: {  	s18 =	sld [smem:$0x3FD0];
	(tm) =	ssettm $0x1  }
0x92: {  	s4 =	sld [smem:$0x3FFB];
	_ =	sdelay $0x3  }
0x93: {  	_ =	strace s4  }
0x94: {  	s4 =	sld [smem:$0x3FFC];
	_ =	sdelay $0x3  }
0x95: {  	_ =	strace s4  }
0x96: {  	s4 =	sld [smem:$0x3FFD];
	_ =	sdelay $0x3  }
0x97: {  	_ =	strace s4  }
0x98: {  	_ =	strace $0x8FFFFFFF  }
0x99: {  	s19 =	sld [smem:$0x3FDB];
	_ =	sdelay $0x1  }
0x9a: {  	s5 =	simm.s32 $_scs_section_size  }
0x9b: {  	s6 =	simm.s32 $_size__tile_overlayer_lowered;
	s7 =	simm.s32 $_tile_overlayer_lowered  }
0x9c: {  	s22 =	simm.s32 $0x1BFF;
	s21 =	sshll.u32 s7, $0x1;
	s4 =	sadd.s32 s5, s19  }
0x9d: {  	s8 =	simm.s32 $0x0;
	s20 =	sshll.u32 s6, $0x1;
	s6 =	sadd.s32 s21, s4  }
0x9e: {  	[timem:s8], [sflag:s22] =	dma.local [hbm:s6], s20  }
0x9f: {  	_ =	swait.ge [sflag:s22], s20  }
0xa0: {  	s5 =	ssub.s32 $0x0, s20;
	[sflag:s22] =	ssyncset.done $0x0  }
0xa1: {  	[sflag:s22] =	ssyncadd.s32 s5;
	_ =	sdelay $0x1  }
0xa2: {  	s23 =	simm.s32 $0x1B8B  }
0xa3: {  	_ =	swait.ge [sflag:s23], $0x1  }
0xa4: {  	[sflag:s23] =	ssyncset.done $0x0  }
0xa5: {  	s25 =	simm.s32 $0x1B8E;
	s24 =	sld [smem:$0x3FFE];
	[sflag:s23] =	ssyncadd.s32 $0xFFFFFFFF  }
0xa6: {  	s26 =	simm.s32 $execute0_lowered;
	[smem:$0x3FD2] =	sst s25  }
0xa7: {  	s6 =	sshll.u32 s26, $0x1;
	_ =	strace $0x80000046;
	[dreg:$0x1] =	wrdreg $0xFFFFFFFF  }
0xa8: {  	s28 =	simm.s32 $_size_execute0_lowered;
	s4 =	sadd.s32 s4, s6;
	[dreg:$0x0] =	wrdreg $0x0  }
0xa9: {  	s6 =	sshll.u32 s28, $0x1;
	[dreg:$0x2] =	wrdreg s4  }
0xaa: {  	[dreg:$0x3] =	wrdreg s6  }
0xab: {  	[dreg:$0x4] =	wrdreg $0xC0  }
0xac: {  	_ =	task [dreg:s8], $0x5FFFF  }
0xad: {  	[dreg:$0x1] =	wrdreg $0xFFFFFFFF  }
0xae: {  	[dreg:$0x0] =	wrdreg $0x60  }
0xaf: {  	[dreg:$0x2] =	wrdreg s2  }
0xb0: {  	[dreg:$0x3] =	wrdreg s24  }
0xb1: {  	[dreg:$0x4] =	wrdreg s18  }
0xb2: {  	[dreg:$0x5] =	wrdreg $0xA4000  }
0xb3: {  	[dreg:$0x6] =	wrdreg $0x9  }
0xb4: {  	_ =	task.clear_ibuf [dreg:s8], $0x7FFFF;
	_ =	strace $0x90000046  }
0xb5: {  	s29 =	simm.s32 $0x9;
	_ =	strace $0x80000048  }
0xb6: {  	_ =	swait.ge [sflag:s29], $0x1  }
0xb7: {  	[sflag:s29] =	ssyncadd.s32 $0xFFFFFFFF  }
0xb8: {  	_ =	strace $0x90000048  }
0xb9: {  	_ =	sfence  }
0xba: {  	s30 =	sld [smem:$0x0];
	_ =	sdelay $0x2  }
0xbb: {  	s31 =	sshll.u32 s1, $0xD;
	s1 =	sshrl.u32 s1, $0x2  }
0xbc: {  	s3 =	sand.u32 $0x4000, s31;
	s1 =	sadd.s32 s1, s30  }
0xbd: {  	s0 =	sor.u32 s3, s0;
	s1 =	sshll.u32 s1, $0x11  }
0xbe: {  	s0 =	sor.u32 s1, s0  }
0xbf: {  	s0 =	sadd.s32 $0x8F2B, s0  }
0xc0: {  	[sflag:s0] =	ssyncadd.remote.s32 $0x1  }
0xc1: {  	_ =	sfence.sel $0xFFFF  }
0xc2: {  	[dreg:$0x0] =	wrdreg $0xFFFFFFFF;
	(pc) =	sbr.abs _section_cstart, $3  }
0xc3: {  	[dreg:$0x1] =	wrdreg $0xFFFFFFFF  }
0xc4: {  	_ =	task.clear_ibuf [dreg:s8], $0x2FFFF;
	_ =	strace $0x9FFFFFFF  }
0xc5: {  	(tm) =	ssettm $0x7FFFFFFF  }
tec
execute0_lowered:
.L_overlay_start_1:
0x0: {  	(tag) =	ssettag $0x1  }
0x1: {  	s0 =	rddreg [dreg:$0x0]  }
0x2: {  	s1 =	rddreg [dreg:$0x1]  }
0x3: {  	s11 =	rddreg [dreg:$0x2];
	s2 =	srdreg.scid  }
0x4: {  	s10 =	stileid.u32;
	s3 =	rddreg [dreg:$0x3]  }
0x5: {  	s4 =	simm.s32 $0x0;
	s16 =	simm.s32 $0x1;
	s15 =	simm.s32 $0x9  }
0x6: {  	s18 =	simm.s32 $0x10;
	s29 =	simm.s32 $0x8C00;
	s31 =	simm.s32 $0x9400  }
0x7: {  	s2 =	sand.u32 $0x1, s2;
	s5 =	sshll.u32 s10, $0x1;
	[smem:$0x7FF] =	sst s4  }
0x8: {  	s9 =	sshll.u32 s10, $0x10;
	s21 =	sshll.u32 s10, $0xD;
	s24 =	smul.u32 $0x640000, s10  }
0x9: {  	s22 =	sshll.u32 s10, $0x6;
	s28 =	smul.u32 $0xC8000, s10;
	s5 =	sor.u32 s2, s5  }
0xa: {  	_ =	strace $0x80000047;
	s7 =	ssub.s32 $0x2, s2;
	s20 =	sadd.s32 s9, s3  }
0xb: {  	s0 =	sadd.s32 s0, s21;
	s23 =	sor.u32 $0x1C01, s22;
	s26 =	smul.u32 $0x320000, s2  }
0xc: {  	s2 =	smul.u32 $0x64000, s2;
	s21 =	simm.s32 $0x6;
	s22 =	simm.s32 $0x8  }
0xd: {  	s6 =	smul.u32 $0x6400, s5;
	s8 =	sshrl.u32 s7, $0x1;
	[dreg:$0x5] =	wrdreg s0  }
0xe: {  	s5 =	smul.u32 $0x64000, s5;
	[dreg:$0x6] =	wrdreg s23;
	s30 =	sshrl.u32 s20, $0x3  }
0xf: {  	s19 =	ssub.s32 s7, s8;
	s0 =	sadd.s32 s26, s24;
	s13 =	sadd.s32 s2, s28  }
0x10: {  	[dreg:$0x9] =	wrdreg s30;
	s24 =	simm.s32 $0x7C00;
	s2 =	simm.s32 $0x4  }
0x11: {  	s7 =	simm.s32 $0x0;
	s6 =	sshrl.u32 s6, $0x3;
	s25 =	sadd.s32 s11, s5  }
.Ltmp0:
0x12: {  	s12 =	sshrl.u32 s0, $0x3;
	s0 =	sor.u32 $0x3800, s0;
	(pc) =	sbr.rel .LBB2_1-.Ltmp0, $4  }
0x13: {  	s5 =	simm.s32 $0xF;
	s1 =	sadd.s32 s6, s1;
	s6 =	smax.u32 s19, $0x1  }
0x14: {  	s9 =	sadd.s32 $0x63A00, s25;
	s10 =	sadd.s32 $0x63C00, s25;
	s11 =	sadd.s32 $0x63E00, s25  }
0x15: {  	s14 =	sshrl.u32 s0, $0x3;
	s1 =	sadd.s32 $0x400, s1;
	[dreg:$0x8] =	wrdreg s6  }
0x16: {  	s0 =	simm.s32 $0x2;
	[dreg:$0x7] =	wrdreg s1;
	s1 =	simm.s32 $0x9C00  }
.LBB2_4:
0x17: {  	s15 =	simm.s32 $0x9  }
0x18: {  	_ =	swait.ge [sflag:s15], $0x800  }
0x19: {  	[sflag:s15] =	ssyncset.done $0x0  }
0x1a: {  	s6 =	simm.s32 $0xA;
	[sflag:s15] =	ssyncadd.s32 $0xFFFFF800  }
0x1b: {  	_ =	swait.ge [sflag:s6], $0x800  }
0x1c: {  	[sflag:s6] =	ssyncset.done $0x0  }
0x1d: {  	s23 =	simm.s32 $0xB;
	[sflag:s6] =	ssyncadd.s32 $0xFFFFF800  }
0x1e: {  	_ =	swait.ge [sflag:s23], $0x800  }
0x1f: {  	[sflag:s23] =	ssyncset.done $0x0  }
0x20: {  	s25 =	simm.s32 $0xC;
	[sflag:s23] =	ssyncadd.s32 $0xFFFFF800  }
0x21: {  	_ =	swait.ge [sflag:s25], $0x800  }
0x22: {  	[sflag:s25] =	ssyncset.done $0x0  }
0x23: {  	s26 =	simm.s32 $0xD;
	[sflag:s25] =	ssyncadd.s32 $0xFFFFF800  }
0x24: {  	_ =	swait.ge [sflag:s26], $0x800  }
0x25: {  	[sflag:s26] =	ssyncset.done $0x0  }
0x26: {  	s28 =	simm.s32 $0xE;
	[sflag:s26] =	ssyncadd.s32 $0xFFFFF800  }
0x27: {  	_ =	swait.ge [sflag:s28], $0x800  }
0x28: {  	[sflag:s28] =	ssyncset.done $0x0  }
0x29: {  	[sflag:s28] =	ssyncadd.s32 $0xFFFFF800  }
0x2a: {  	_ =	swait.ge [sflag:s5], $0x800  }
0x2b: {  	[sflag:s5] =	ssyncset.done $0x0  }
0x2c: {  	[sflag:s5] =	ssyncadd.s32 $0xFFFFF800  }
0x2d: {  	_ =	swait.ge [sflag:s18], $0x800  }
0x2e: {  	s7 =	rddreg [dreg:$0xa]  }
0x2f: {  	s30 =	rddreg [dreg:$0x8];
	s7 =	sadd.s32 $0x1, s7  }
0x30: {  	p0 =	sne.s32 s7, s30  }
.Ltmp1:
0x31: {  	_ = 	snop;
	(pc) =	sbr.rel @!p0 .LBB2_5-.Ltmp1, $3  }
0x32: {  	_ =	sdelay $0x1  }
0x33: {  	[sflag:s18] =	ssyncset.done $0x0  }
0x34: {  	[sflag:s18] =	ssyncadd.s32 $0xFFFFF800  }
.LBB2_1:
0x35: {  	[dreg:$0xa] =	wrdreg s7  }
0x36: {  	s6 =	rddreg [dreg:$0x5]  }
0x37: {  	s30 =	rddreg [dreg:$0x6]  }
0x38: {  	s8 =	rddreg [dreg:$0x9]  }
0x39: {  	[spmem:s8], [sflag:s30] =	dma.local [hbm:s6], $0x2000  }
0x3a: {  	s6 =	rddreg [dreg:$0x7]  }
0x3b: {  	[tilespmem:s4], [sflag:$0x9] =	stream.linear.gather [hbm4b:s6+s4], $0x6400, $0x38;
	[tilespmem:$0x1A400] =	vst v63  }
0x3c: {  	_ =	swait.ge [sflag:s16], $0x2000  }
0x3d: {  	[sflag:s16] =	ssyncset.done $0x0  }
0x3e: {  	[sflag:s16] =	ssyncadd.s32 $0xFFFFE000  }
0x3f: {  	_ =	swait.ge [sflag:s15], $0x6400  }
0x40: {  	[sflag:s15] =	ssyncset.done $0x0  }
0x41: {  	[sflag:s15] =	ssyncadd.s32 $0xFFFF9C00  }
0x42: {  	s15 =	simm.s32 $0x6400;
	[bflag:$0x0] =	sbarrier.arrive $0xFFFF  }
0x43: {  	[tilespmem:s15], [sflag:$0x1] =	stream.indirect.gather [spmem:s3], $0x80, s4, s18, $0xb8;
	[tilespmem:$0x1A400] =	vst v63  }
0x44: {  	s17 =	simm.s32 $0x6C00  }
0x45: {  	[tilespmem:s17], [sflag:$0x2] =	stream.indirect.gather [spmem:s3], $0x80, s18, s18, $0xb8;
	[tilespmem:$0x1A400] =	vst v63  }
0x46: {  	s19 =	simm.s32 $0x20;
	s20 =	simm.s32 $0x7400  }
0x47: {  	[tilespmem:s20], [sflag:$0x3] =	stream.indirect.gather [spmem:s3], $0x80, s19, s18, $0xb8;
	[tilespmem:$0x1A400] =	vst v63  }
0x48: {  	s23 =	simm.s32 $0x30  }
0x49: {  	[tilespmem:s24], [sflag:$0x4] =	stream.indirect.gather [spmem:s3], $0x80, s23, s18, $0xb8;
	[tilespmem:$0x1A400] =	vst v63  }
0x4a: {  	s25 =	simm.s32 $0x40;
	s26 =	simm.s32 $0x8400  }
0x4b: {  	[tilespmem:s26], [sflag:$0x5] =	stream.indirect.gather [spmem:s3], $0x80, s25, s18, $0xb8;
	[tilespmem:$0x1A400] =	vst v63  }
0x4c: {  	s28 =	simm.s32 $0x50  }
0x4d: {  	[tilespmem:s29], [sflag:$0x6] =	stream.indirect.gather [spmem:s3], $0x80, s28, s18, $0xb8;
	[tilespmem:$0x1A400] =	vst v63  }
0x4e: {  	s30 =	simm.s32 $0x60;
	s8 =	simm.s32 $0x0;
	s7 =	rddreg [dreg:$0x2]  }
0x4f: {  	[tilespmem:s31], [sflag:$0x7] =	stream.indirect.gather [spmem:s3], $0x80, s30, s18, $0xb8;
	[tilespmem:$0x1A400] =	vst v63  }
.LBB2_2:
0x50: {  	_ =	swait.ge [sflag:s16], $0x800  }
0x51: {  	s15 =	sadd.s32 s7, s12;
	p0 =	seq.s32 s8, $0x0;
	[sflag:s16] =	ssyncset.done $0x0  }
0x52: {  	s6 =	simm.s32 $0x6400;
	s17 =	simm.s32 @!p0 $0x10;
	[sflag:s16] =	ssyncadd.s32 $0xFFFFF800  }
0x53: {  	[hbm4b:s15+s4] =	stream.linear.scatter [tilespmem:s6], [sflag:$0x9], $0x800, $0x38;
	[tilespmem:$0x1A400] =	vst v63  }
0x54: {  	_ =	swait.ge @!p0 [sflag:s17], $0x800  }
0x55: {  	s15 =	sshra.s32 s8, $0x2;
	[sflag:s17] =	ssyncset.done @!p0 $0x0  }
0x56: {  	s30 =	sadd.s32 $0x70, s15;
	[sflag:s17] =	ssyncadd.s32 @!p0 $0xFFFFF800  }
0x57: {  	[tilespmem:s1], [sflag:$0x8] =	stream.indirect.gather [spmem:s3], $0x80, s30, s18, $0xb8;
	[tilespmem:$0x1A400] =	vst v63  }
0x58: {  	s26 =	sadd.s32 s7, s13;
	_ =	swait.ge [sflag:s0], $0x800  }
0x59: {  	s19 =	simm.s32 $0x6C00;
	p0 =	seq.s32 s8, $0x18E00;
	[sflag:s0] =	ssyncset.done $0x0  }
0x5a: {  	s6 =	sadd.s32 $0x100, s26;
	s17 =	simm.s32 @p0 $0x3;
	[sflag:s0] =	ssyncadd.s32 $0xFFFFF800  }
0x5b: {  	[hbm4b:s6+s4] =	stream.linear.scatter [tilespmem:s19], [sflag:$0xA], $0x800, $0x38;
	[tilespmem:$0x1A400] =	vst v63  }
0x5c: {  	_ =	swait.ge @p0 [sflag:s17], $0x800  }
0x5d: {  	[sflag:s17] =	ssyncset.done @p0 $0x0  }
0x5e: {  	s28 =	simm.s32 @p0 $0x0;
	[sflag:s17] =	ssyncadd.s32 @p0 $0xFFFFF800;
	s17 =	simm.s32 @p0 $0x7400  }
0x5f: {  	[hbm4b:s9+s28] =	stream.linear.scatter @p0 [tilespmem:s17], [sflag:$0xB], $0x800, $0x38;
	[tilespmem:$0x1A400] =	vst v63  }
0x60: {  	s17 =	simm.s32 @!p0 $0x9  }
0x61: {  	_ =	swait.ge @!p0 [sflag:s17], $0x800  }
0x62: {  	s23 =	sshra.s32 @!p0 s8, $0x2;
	s25 =	simm.s32 @!p0 $0x10;
	[sflag:s17] =	ssyncset.done @!p0 $0x0  }
0x63: {  	s30 =	simm.s32 @!p0 $0x6400;
	[sflag:s17] =	ssyncadd.s32 @!p0 $0xFFFFF800;
	s17 =	sadd.s32 @!p0 $0x80, s23  }
0x64: {  	[tilespmem:s30], [sflag:$0x1] =	stream.indirect.gather @!p0 [spmem:s3], $0x80, s17, s25, $0xb8;
	[tilespmem:$0x1A400] =	vst v63  }
0x65: {  	s17 =	simm.s32 @!p0 $0x3  }
0x66: {  	_ =	swait.ge @!p0 [sflag:s17], $0x800  }
0x67: {  	s19 =	simm.s32 @!p0 $0x7400;
	s30 =	sadd.s32 @!p0 s7, s13;
	[sflag:s17] =	ssyncset.done @!p0 $0x0  }
0x68: {  	s6 =	sadd.s32 @!p0 $0x200, s30;
	[sflag:s17] =	ssyncadd.s32 @!p0 $0xFFFFF800;
	s17 =	simm.s32 @!p0 $0x0  }
0x69: {  	[hbm4b:s6+s17] =	stream.linear.scatter @!p0 [tilespmem:s19], [sflag:$0xB], $0x800, $0x38;
	[tilespmem:$0x1A400] =	vst v63  }
0x6a: {  	s6 =	simm.s32 @!p0 $0xA  }
0x6b: {  	_ =	swait.ge @!p0 [sflag:s6], $0x800  }
0x6c: {  	[sflag:s6] =	ssyncset.done @!p0 $0x0  }
0x6d: {  	s20 =	simm.s32 @!p0 $0x6C00;
	[sflag:s6] =	ssyncadd.s32 @!p0 $0xFFFFF800;
	s6 =	sadd.s32 @!p0 $0x90, s23  }
0x6e: {  	[tilespmem:s20], [sflag:$0x2] =	stream.indirect.gather @!p0 [spmem:s3], $0x80, s6, s25, $0xb8;
	[tilespmem:$0x1A400] =	vst v63  }
0x6f: {  	_ =	swait.ge [sflag:s2], $0x800  }
0x70: {  	[sflag:s2] =	ssyncset.done $0x0  }
0x71: {  	s20 =	sadd.s32 $0x300, s26;
	s6 =	simm.s32 @p0 $0x5;
	[sflag:s2] =	ssyncadd.s32 $0xFFFFF800  }
0x72: {  	[hbm4b:s20+s4] =	stream.linear.scatter [tilespmem:s24], [sflag:$0xC], $0x800, $0x38;
	[tilespmem:$0x1A400] =	vst v63  }
0x73: {  	_ =	swait.ge @p0 [sflag:s6], $0x800  }
0x74: {  	[sflag:s6] =	ssyncset.done @p0 $0x0  }
0x75: {  	[sflag:s6] =	ssyncadd.s32 @p0 $0xFFFFF800;
	s6 =	simm.s32 @p0 $0x8400  }
0x76: {  	[hbm4b:s10+s28] =	stream.linear.scatter @p0 [tilespmem:s6], [sflag:$0xD], $0x800, $0x38;
	[tilespmem:$0x1A400] =	vst v63  }
0x77: {  	s6 =	simm.s32 @!p0 $0xB  }
0x78: {  	_ =	swait.ge @!p0 [sflag:s6], $0x800  }
0x79: {  	[sflag:s6] =	ssyncset.done @!p0 $0x0  }
0x7a: {  	[sflag:s6] =	ssyncadd.s32 @!p0 $0xFFFFF800;
	s6 =	sadd.s32 @!p0 $0xA0, s23  }
0x7b: {  	[tilespmem:s19], [sflag:$0x3] =	stream.indirect.gather @!p0 [spmem:s3], $0x80, s6, s25, $0xb8;
	[tilespmem:$0x1A400] =	vst v63  }
0x7c: {  	s6 =	simm.s32 @!p0 $0x5  }
0x7d: {  	_ =	swait.ge @!p0 [sflag:s6], $0x800  }
0x7e: {  	[sflag:s6] =	ssyncset.done @!p0 $0x0  }
0x7f: {  	s19 =	simm.s32 @!p0 $0x8400;
	[sflag:s6] =	ssyncadd.s32 @!p0 $0xFFFFF800;
	s6 =	sadd.s32 @!p0 $0x400, s30  }
0x80: {  	[hbm4b:s6+s17] =	stream.linear.scatter @!p0 [tilespmem:s19], [sflag:$0xD], $0x800, $0x38;
	[tilespmem:$0x1A400] =	vst v63  }
0x81: {  	s6 =	simm.s32 @!p0 $0xC  }
0x82: {  	_ =	swait.ge @!p0 [sflag:s6], $0x800  }
0x83: {  	[sflag:s6] =	ssyncset.done @!p0 $0x0  }
0x84: {  	s20 =	simm.s32 @!p0 $0x7C00;
	[sflag:s6] =	ssyncadd.s32 @!p0 $0xFFFFF800;
	s6 =	sadd.s32 @!p0 $0xB0, s23  }
0x85: {  	[tilespmem:s20], [sflag:$0x4] =	stream.indirect.gather @!p0 [spmem:s3], $0x80, s6, s25, $0xb8;
	[tilespmem:$0x1A400] =	vst v63  }
0x86: {  	_ =	swait.ge [sflag:s21], $0x800  }
0x87: {  	[sflag:s21] =	ssyncset.done $0x0  }
0x88: {  	s26 =	sadd.s32 $0x500, s26;
	s6 =	simm.s32 @p0 $0x7;
	[sflag:s21] =	ssyncadd.s32 $0xFFFFF800  }
0x89: {  	[hbm4b:s26+s4] =	stream.linear.scatter [tilespmem:s29], [sflag:$0xE], $0x800, $0x38;
	[tilespmem:$0x1A400] =	vst v63  }
0x8a: {  	_ =	swait.ge @p0 [sflag:s6], $0x800  }
0x8b: {  	[sflag:s6] =	ssyncset.done @p0 $0x0  }
0x8c: {  	[sflag:s6] =	ssyncadd.s32 @p0 $0xFFFFF800;
	s6 =	simm.s32 @p0 $0x9400  }
0x8d: {  	[hbm4b:s11+s28] =	stream.linear.scatter @p0 [tilespmem:s6], [sflag:$0xF], $0x800, $0x38;
	[tilespmem:$0x1A400] =	vst v63  }
0x8e: {  	s6 =	simm.s32 @!p0 $0xD  }
0x8f: {  	_ =	swait.ge @!p0 [sflag:s6], $0x800  }
0x90: {  	[sflag:s6] =	ssyncset.done @!p0 $0x0  }
0x91: {  	[sflag:s6] =	ssyncadd.s32 @!p0 $0xFFFFF800;
	s6 =	sadd.s32 @!p0 $0xC0, s23  }
0x92: {  	[tilespmem:s19], [sflag:$0x5] =	stream.indirect.gather @!p0 [spmem:s3], $0x80, s6, s25, $0xb8;
	[tilespmem:$0x1A400] =	vst v63  }
0x93: {  	s6 =	simm.s32 @!p0 $0x7  }
0x94: {  	_ =	swait.ge @!p0 [sflag:s6], $0x800  }
0x95: {  	[sflag:s6] =	ssyncset.done @!p0 $0x0  }
0x96: {  	s19 =	simm.s32 @!p0 $0x9400;
	[sflag:s6] =	ssyncadd.s32 @!p0 $0xFFFFF800;
	s6 =	sadd.s32 @!p0 $0x600, s30  }
0x97: {  	[hbm4b:s6+s17] =	stream.linear.scatter @!p0 [tilespmem:s19], [sflag:$0xF], $0x800, $0x38;
	[tilespmem:$0x1A400] =	vst v63  }
0x98: {  	s6 =	simm.s32 @!p0 $0xE  }
0x99: {  	_ =	swait.ge @!p0 [sflag:s6], $0x800  }
0x9a: {  	[sflag:s6] =	ssyncset.done @!p0 $0x0  }
0x9b: {  	s17 =	simm.s32 @!p0 $0x8C00;
	[sflag:s6] =	ssyncadd.s32 @!p0 $0xFFFFF800;
	s6 =	sadd.s32 @!p0 $0xD0, s23  }
0x9c: {  	[tilespmem:s17], [sflag:$0x6] =	stream.indirect.gather @!p0 [spmem:s3], $0x80, s6, s25, $0xb8;
	[tilespmem:$0x1A400] =	vst v63  }
.Ltmp2:
0x9d: {  	_ = 	snop;
	(pc) =	sbr.rel @p0 .LBB2_4-.Ltmp2, $4  }
0x9e: {  	_ =	swait.ge [sflag:s22], $0x800  }
0x9f: {  	[sflag:s22] =	ssyncset.done $0x0  }
0xa0: {  	s30 =	sadd.s32 s7, s14;
	[sflag:s22] =	ssyncadd.s32 $0xFFFFF800  }
0xa1: {  	[hbm4b:s30+s4] =	stream.linear.scatter [tilespmem:s1], [sflag:$0x10], $0x800, $0x38;
	[tilespmem:$0x1A400] =	vst v63  }
.Ltmp3:
0xa2: {  	(pc) =	sbr.rel .LBB2_2-.Ltmp3, $4  }
0xa3: {  	_ =	swait.ge [sflag:s5], $0x800  }
0xa4: {  	s6 =	sadd.s32 $0xE0, s15;
	[sflag:s5] =	ssyncset.done $0x0  }
0xa5: {  	s8 =	sadd.s32 $0x200, s8;
	s7 =	sadd.s32 $0x800, s7;
	[sflag:s5] =	ssyncadd.s32 $0xFFFFF800  }
0xa6: {  	[tilespmem:s31], [sflag:$0x7] =	stream.indirect.gather [spmem:s3], $0x80, s6, s18, $0xb8;
	[tilespmem:$0x1A400] =	vst v63  }
.LBB2_5:
0xa7: {  	_ =	sfence.sel $0x180000  }
0xa8: {  	[bflag:$0x0] =	sbarrier.arrive $0xFFFF  }
0xa9: {  	_ =	strace $0x90000047  }
0xaa: {  	s0 =	stileid.u32;
	[bflag:$0x2] =	sbarrier.arrive $0xFFFF  }
0xab: {  	p0 =	sne.s32 s0, $0x0;
	s0 =	rddreg [dreg:$0x4]  }
0xac: {  	s0 =	sadd.s32 @!p0 $0x100000, s0  }
0xad: {  	[sflag:s0] =	ssyncadd.tile.s32 @!p0 $0x1;
	_ =	shalt  }
.Lfunc_end2:
_tile_overlayer_lowered:
.L_overlay_start_2:
0xae: {  	(tag) =	ssettag $0x2  }
0xaf: {  	s0 =	rddreg [dreg:$0x0];
	s2 =	stileid.u32  }
0xb0: {  	s1 =	rddreg [dreg:$0x1];
	p0 =	sne.s32 s2, $0x0  }
0xb1: {  	s3 =	rddreg [dreg:$0x2];
	[bflag:$0x3] =	sbarrier.arrive $0xFFFF;
	s2 =	simm.s32 @!p0 $0x1C11  }
0xb2: {  	[timem:s3], [sflag:s2] =	dma.local @!p0 [hbm:s0], s1  }
0xb3: {  	s0 =	simm.s32 @!p0 $0x11  }
0xb4: {  	_ =	swait.ge @!p0 [sflag:s0], s1  }
0xb5: {  	s1 =	ssub.s32 @!p0 $0x0, s1;
	[sflag:s0] =	ssyncset.done @!p0 $0x0  }
0xb6: {  	[sflag:s0] =	ssyncadd.s32 @!p0 s1  }
0xb7: {  	[bflag:$0x3] =	sbarrier.arrive $0xFFFF  }
0xb8: {  	_ =	shalt  }

</sc_bundles>
